<compile_context>
chip_gen: v7x
topology: tpu7x:2x2x1
jax: 0.10.2.dev20260603
libtpu: 0.0.44.dev20260713+nightly
codegen_flags: <defaults>
</compile_context>

<pallas_src>
import jax
import jax.numpy as jnp
from jax import lax
from jax.experimental import pallas as pl
from jax.experimental.pallas import tpu as pltpu
from jax.experimental.pallas import tpu_sc as plsc

_B, _C, _D = 1024, 128, 256
_R, _RC = 8, 16
_RSC = 2

_NC, _NS = 2, 16
_NW = _NC * _NS
_BPW = _B // _NW
_BCH = 8
_NCH = _BPW // _BCH
_NBUF = 3


def _sc_body(x_hbm, *refs):
    outs = refs[:_RSC]
    buf = refs[_RSC]
    in_sem = refs[_RSC + 1]
    out_sem = refs[_RSC + 2]
    wid = lax.axis_index("s") * _NC + lax.axis_index("c")
    base = wid * _BPW

    tiles = [(k, j) for k in range(_RSC) for j in range(_NCH)]
    n = len(tiles)

    def start_in(i):
        k, j = tiles[i]
        return pltpu.async_copy(
            x_hbm.at[pl.ds(base + j * _BCH, _BCH), pl.ds(k * _RC, _RC)],
            buf.at[i % _NBUF],
            in_sem,
        )

    def start_out(i):
        k, j = tiles[i]
        return pltpu.async_copy(
            buf.at[i % _NBUF],
            outs[k].at[pl.ds(base + j * _BCH, _BCH)],
            out_sem,
        )

    ahead = _NBUF - 1
    in_copies = {i: start_in(i) for i in range(min(ahead, n))}
    pending = {}
    for i in range(n):
        in_copies.pop(i).wait()
        pending[i] = start_out(i)
        if i + ahead - _NBUF in pending:
            pending.pop(i + ahead - _NBUF).wait()
        if i + ahead < n:
            in_copies[i + ahead] = start_in(i + ahead)
    for c in pending.values():
        c.wait()


_sc_call = pl.kernel(
    _sc_body,
    out_type=tuple(
        jax.ShapeDtypeStruct((_B, _RC, _D), jnp.float32) for _ in range(_RSC)
    ),
    mesh=plsc.VectorSubcoreMesh(core_axis_name="c", subcore_axis_name="s"),
    scratch_types=[
        pltpu.VMEM((_NBUF, _BCH, _RC, _D), jnp.float32),
        pltpu.SemaphoreType.DMA,
        pltpu.SemaphoreType.DMA,
    ],
)

_NTC = _R - _RSC
_TB = 32
_GRID = _B // _TB


def _tc_body(*refs):
    in_refs = refs[:_NTC]
    out_refs = refs[_NTC:]
    for k in range(_NTC):
        out_refs[k][...] = in_refs[k][...]


_tc_call = pl.pallas_call(
    _tc_body,
    grid=(_GRID,),
    in_specs=[
        pl.BlockSpec((_TB, _RC, _D), lambda i, k=k: (i, _RSC + k, 0))
        for k in range(_NTC)
    ],
    out_specs=[pl.BlockSpec((_TB, _RC, _D), lambda i: (i, 0, 0))] * _NTC,
    out_shape=tuple(
        jax.ShapeDtypeStruct((_B, _RC, _D), jnp.float32) for _ in range(_NTC)
    ),
)


@jax.jit
def kernel(x):
    sc_outs = _sc_call(x)
    tc_outs = _tc_call(*([x] * _NTC))
    return tuple(sc_outs) + tuple(tc_outs)

# --- scband reference (transcript-rebuilt; emitter-appended) ---
"""Pipeline reference for scband-anatomical-mask-12292196402032 (READ-ONLY COPY).

The authoritative reference and input builder live on the scoring server;
editing this copy changes nothing except your own understanding.
"""

import jax, jax.numpy as jnp
import numpy as np

# Region index lists (constants from __init__ brain_regions), 8 regions x 16 channels
REGION_INDICES = [np.arange(k * 16, (k + 1) * 16, dtype=np.int64) for k in range(8)]


def setup_inputs(seed: int = 0) -> dict:
    key = jax.random.key(seed)
    x = jax.random.normal(key, (1024, 128, 256), dtype=jnp.float32)
    return {"x": x}


def reference(x):
    # Faithful translation: for each region k, gather channels -> [B, |R_k|, proj_dim]
    outs = []
    for idx in REGION_INDICES:
        idx_j = jnp.asarray(idx)
        outs.append(jnp.take(x, idx_j, axis=1))
    return tuple(outs)

if __name__ == "__main__":
    import jax
    _d = setup_inputs()
    print(jax.jit(kernel)(*tuple(_d.values())))

</pallas_src>

<mosaic_0001>
#map = affine_map<(d0, d1) -> (0, 0, 0)>
module attributes {stable_mosaic.version = 14 : i64} {
  func.func @_sc_body(%arg0: i32, %arg1: i32, %arg2: memref<1024x128x256xf32, #tpu.memory_space<hbm>>, %arg3: memref<1024x16x256xf32, #tpu.memory_space<hbm>>, %arg4: memref<1024x16x256xf32, #tpu.memory_space<hbm>>, %arg5: memref<3x8x16x256xf32, #tpu.memory_space<vmem>>, %arg6: memref<!tpu.dma_semaphore, #tpu.memory_space<semaphore_mem>>, %arg7: memref<!tpu.dma_semaphore, #tpu.memory_space<semaphore_mem>>) attributes {dimension_semantics = [#tpu.dimension_semantics<core_parallel>, #tpu.dimension_semantics<subcore_parallel>], iteration_bounds = array<i64: 2, 16>, scalar_prefetch = 0 : i64, scratch_operands = 3 : i64, tpu.core_type = #tpu.core_type<sc_vector_subcore>, window_params = [{transform_indices = #map}, {transform_indices = #map}, {transform_indices = #map}]} {
    %mul3A = arith.constant 2 : i32
    %mul3A_0 = arith.muli %arg1, %mul3A : i32
    %add3A = arith.addi %mul3A_0, %arg0 : i32
    %mul3A_1 = arith.constant 32 : i32
    %mul3A_2 = arith.muli %add3A, %mul3A_1 : i32
    %add3A_3 = arith.constant 0 : i32
    %add3A_4 = arith.addi %mul3A_2, %add3A_3 : i32
    %dma_start3A = arith.constant 0 : i32
    %dma_start3A_5 = arith.constant 0 : i32
    %dma_start3A_6 = arith.constant 0 : i32
    %dma_start3A_7 = arith.constant 0 : i32
    %dma_start3A_8 = tpu.memref_slice %arg5[%dma_start3A, %dma_start3A_5, %dma_start3A_6, %dma_start3A_7] : memref<3x8x16x256xf32, #tpu.memory_space<vmem>> -> memref<1x8x16x256xf32, #tpu.memory_space<vmem>>
    %dma_start3A_9 = tpu.memref_squeeze %dma_start3A_8 : memref<1x8x16x256xf32, #tpu.memory_space<vmem>> -> memref<8x16x256xf32, #tpu.memory_space<vmem>>
    %dma_start3A_10 = arith.constant 0 : i32
    %dma_start3A_11 = arith.constant 0 : i32
    %dma_start3A_12 = tpu.memref_slice %arg2[%add3A_4, %dma_start3A_10, %dma_start3A_11] : memref<1024x128x256xf32, #tpu.memory_space<hbm>> -> memref<8x16x256xf32, #tpu.memory_space<hbm>>
    %dma_start3A_13 = arith.constant 0 : i32
    %dma_start3A_14 = arith.constant 0 : i32
    %dma_start3A_15 = arith.constant 0 : i32
    %dma_start3A_16 = tpu.memref_slice %arg5[%dma_start3A, %dma_start3A_13, %dma_start3A_14, %dma_start3A_15] : memref<3x8x16x256xf32, #tpu.memory_space<vmem>> -> memref<1x8x16x256xf32, #tpu.memory_space<vmem>>
    %dma_start3A_17 = tpu.memref_squeeze %dma_start3A_16 : memref<1x8x16x256xf32, #tpu.memory_space<vmem>> -> memref<8x16x256xf32, #tpu.memory_space<vmem>>
    %dma_start3A_18 = arith.constant 0 : i32
    %dma_start3A_19 = arith.constant 0 : i32
    %dma_start3A_20 = tpu.memref_slice %arg2[%add3A_4, %dma_start3A_18, %dma_start3A_19] : memref<1024x128x256xf32, #tpu.memory_space<hbm>> -> memref<8x16x256xf32, #tpu.memory_space<hbm>>
    tpu.enqueue_dma source(%dma_start3A_20 : memref<8x16x256xf32, #tpu.memory_space<hbm>>) target(%dma_start3A_17 : memref<8x16x256xf32, #tpu.memory_space<vmem>>) target_semaphore(%arg6 : memref<!tpu.dma_semaphore, #tpu.memory_space<semaphore_mem>>)
    %add3A_21 = arith.constant 8 : i32
    %add3A_22 = arith.addi %mul3A_2, %add3A_21 : i32
    %dma_start3A_23 = arith.constant 1 : i32
    %dma_start3A_24 = arith.constant 0 : i32
    %dma_start3A_25 = arith.constant 0 : i32
    %dma_start3A_26 = arith.constant 0 : i32
    %dma_start3A_27 = tpu.memref_slice %arg5[%dma_start3A_23, %dma_start3A_24, %dma_start3A_25, %dma_start3A_26] : memref<3x8x16x256xf32, #tpu.memory_space<vmem>> -> memref<1x8x16x256xf32, #tpu.memory_space<vmem>>
    %dma_start3A_28 = tpu.memref_squeeze %dma_start3A_27 : memref<1x8x16x256xf32, #tpu.memory_space<vmem>> -> memref<8x16x256xf32, #tpu.memory_space<vmem>>
    %dma_start3A_29 = arith.constant 0 : i32
    %dma_start3A_30 = arith.constant 0 : i32
    %dma_start3A_31 = tpu.memref_slice %arg2[%add3A_22, %dma_start3A_29, %dma_start3A_30] : memref<1024x128x256xf32, #tpu.memory_space<hbm>> -> memref<8x16x256xf32, #tpu.memory_space<hbm>>
    %dma_start3A_32 = arith.constant 0 : i32
    %dma_start3A_33 = arith.constant 0 : i32
    %dma_start3A_34 = arith.constant 0 : i32
    %dma_start3A_35 = tpu.memref_slice %arg5[%dma_start3A_23, %dma_start3A_32, %dma_start3A_33, %dma_start3A_34] : memref<3x8x16x256xf32, #tpu.memory_space<vmem>> -> memref<1x8x16x256xf32, #tpu.memory_space<vmem>>
    %dma_start3A_36 = tpu.memref_squeeze %dma_start3A_35 : memref<1x8x16x256xf32, #tpu.memory_space<vmem>> -> memref<8x16x256xf32, #tpu.memory_space<vmem>>
    %dma_start3A_37 = arith.constant 0 : i32
    %dma_start3A_38 = arith.constant 0 : i32
    %dma_start3A_39 = tpu.memref_slice %arg2[%add3A_22, %dma_start3A_37, %dma_start3A_38] : memref<1024x128x256xf32, #tpu.memory_space<hbm>> -> memref<8x16x256xf32, #tpu.memory_space<hbm>>
    tpu.enqueue_dma source(%dma_start3A_39 : memref<8x16x256xf32, #tpu.memory_space<hbm>>) target(%dma_start3A_36 : memref<8x16x256xf32, #tpu.memory_space<vmem>>) target_semaphore(%arg6 : memref<!tpu.dma_semaphore, #tpu.memory_space<semaphore_mem>>)
    %dma_wait3A = arith.constant 0 : i32
    %dma_wait3A_40 = arith.constant 0 : i32
    %dma_wait3A_41 = arith.constant 0 : i32
    %dma_wait3A_42 = arith.constant 0 : i32
    %dma_wait3A_43 = tpu.memref_slice %arg5[%dma_wait3A, %dma_wait3A_40, %dma_wait3A_41, %dma_wait3A_42] : memref<3x8x16x256xf32, #tpu.memory_space<vmem>> -> memref<1x8x16x256xf32, #tpu.memory_space<vmem>>
    %dma_wait3A_44 = tpu.memref_squeeze %dma_wait3A_43 : memref<1x8x16x256xf32, #tpu.memory_space<vmem>> -> memref<8x16x256xf32, #tpu.memory_space<vmem>>
    %dma_wait3A_45 = arith.constant 0 : i32
    %dma_wait3A_46 = arith.constant 0 : i32
    %dma_wait3A_47 = tpu.memref_slice %arg2[%add3A_4, %dma_wait3A_45, %dma_wait3A_46] : memref<1024x128x256xf32, #tpu.memory_space<hbm>> -> memref<8x16x256xf32, #tpu.memory_space<hbm>>
    %dma_wait3A_48 = arith.constant 0 : i32
    %dma_wait3A_49 = arith.constant 0 : i32
    %dma_wait3A_50 = arith.constant 0 : i32
    %dma_wait3A_51 = tpu.memref_slice %arg5[%dma_wait3A, %dma_wait3A_48, %dma_wait3A_49, %dma_wait3A_50] : memref<3x8x16x256xf32, #tpu.memory_space<vmem>> -> memref<1x8x16x256xf32, #tpu.memory_space<vmem>>
    %dma_wait3A_52 = tpu.memref_squeeze %dma_wait3A_51 : memref<1x8x16x256xf32, #tpu.memory_space<vmem>> -> memref<8x16x256xf32, #tpu.memory_space<vmem>>
    %dma_wait3A_53 = arith.constant 0 : i32
    %dma_wait3A_54 = arith.constant 0 : i32
    %dma_wait3A_55 = tpu.memref_slice %arg2[%add3A_4, %dma_wait3A_53, %dma_wait3A_54] : memref<1024x128x256xf32, #tpu.memory_space<hbm>> -> memref<8x16x256xf32, #tpu.memory_space<hbm>>
    tpu.wait_dma2 semaphore(%arg6 : memref<!tpu.dma_semaphore, #tpu.memory_space<semaphore_mem>>) src(%dma_wait3A_55 : memref<8x16x256xf32, #tpu.memory_space<hbm>>) dst(%dma_wait3A_52 : memref<8x16x256xf32, #tpu.memory_space<vmem>>)
    %add3A_56 = arith.constant 0 : i32
    %add3A_57 = arith.addi %mul3A_2, %add3A_56 : i32
    %dma_start3A_58 = arith.constant 0 : i32
    %dma_start3A_59 = arith.constant 0 : i32
    %dma_start3A_60 = arith.constant 0 : i32
    %dma_start3A_61 = arith.constant 0 : i32
    %dma_start3A_62 = tpu.memref_slice %arg5[%dma_start3A_58, %dma_start3A_59, %dma_start3A_60, %dma_start3A_61] : memref<3x8x16x256xf32, #tpu.memory_space<vmem>> -> memref<1x8x16x256xf32, #tpu.memory_space<vmem>>
    %dma_start3A_63 = tpu.memref_squeeze %dma_start3A_62 : memref<1x8x16x256xf32, #tpu.memory_space<vmem>> -> memref<8x16x256xf32, #tpu.memory_space<vmem>>
    %dma_start3A_64 = arith.constant 0 : i32
    %dma_start3A_65 = arith.constant 0 : i32
    %dma_start3A_66 = tpu.memref_slice %arg3[%add3A_57, %dma_start3A_64, %dma_start3A_65] : memref<1024x16x256xf32, #tpu.memory_space<hbm>> -> memref<8x16x256xf32, #tpu.memory_space<hbm>>
    %dma_start3A_67 = arith.constant 0 : i32
    %dma_start3A_68 = arith.constant 0 : i32
    %dma_start3A_69 = tpu.memref_slice %arg3[%add3A_57, %dma_start3A_67, %dma_start3A_68] : memref<1024x16x256xf32, #tpu.memory_space<hbm>> -> memref<8x16x256xf32, #tpu.memory_space<hbm>>
    %dma_start3A_70 = arith.constant 0 : i32
    %dma_start3A_71 = arith.constant 0 : i32
    %dma_start3A_72 = arith.constant 0 : i32
    %dma_start3A_73 = tpu.memref_slice %arg5[%dma_start3A_58, %dma_start3A_70, %dma_start3A_71, %dma_start3A_72] : memref<3x8x16x256xf32, #tpu.memory_space<vmem>> -> memref<1x8x16x256xf32, #tpu.memory_space<vmem>>
    %dma_start3A_74 = tpu.memref_squeeze %dma_start3A_73 : memref<1x8x16x256xf32, #tpu.memory_space<vmem>> -> memref<8x16x256xf32, #tpu.memory_space<vmem>>
    tpu.enqueue_dma source(%dma_start3A_74 : memref<8x16x256xf32, #tpu.memory_space<vmem>>) target(%dma_start3A_69 : memref<8x16x256xf32, #tpu.memory_space<hbm>>) target_semaphore(%arg7 : memref<!tpu.dma_semaphore, #tpu.memory_space<semaphore_mem>>)
    %add3A_75 = arith.constant 16 : i32
    %add3A_76 = arith.addi %mul3A_2, %add3A_75 : i32
    %dma_start3A_77 = arith.constant 2 : i32
    %dma_start3A_78 = arith.constant 0 : i32
    %dma_start3A_79 = arith.constant 0 : i32
    %dma_start3A_80 = arith.constant 0 : i32
    %dma_start3A_81 = tpu.memref_slice %arg5[%dma_start3A_77, %dma_start3A_78, %dma_start3A_79, %dma_start3A_80] : memref<3x8x16x256xf32, #tpu.memory_space<vmem>> -> memref<1x8x16x256xf32, #tpu.memory_space<vmem>>
    %dma_start3A_82 = tpu.memref_squeeze %dma_start3A_81 : memref<1x8x16x256xf32, #tpu.memory_space<vmem>> -> memref<8x16x256xf32, #tpu.memory_space<vmem>>
    %dma_start3A_83 = arith.constant 0 : i32
    %dma_start3A_84 = arith.constant 0 : i32
    %dma_start3A_85 = tpu.memref_slice %arg2[%add3A_76, %dma_start3A_83, %dma_start3A_84] : memref<1024x128x256xf32, #tpu.memory_space<hbm>> -> memref<8x16x256xf32, #tpu.memory_space<hbm>>
    %dma_start3A_86 = arith.constant 0 : i32
    %dma_start3A_87 = arith.constant 0 : i32
    %dma_start3A_88 = arith.constant 0 : i32
    %dma_start3A_89 = tpu.memref_slice %arg5[%dma_start3A_77, %dma_start3A_86, %dma_start3A_87, %dma_start3A_88] : memref<3x8x16x256xf32, #tpu.memory_space<vmem>> -> memref<1x8x16x256xf32, #tpu.memory_space<vmem>>
    %dma_start3A_90 = tpu.memref_squeeze %dma_start3A_89 : memref<1x8x16x256xf32, #tpu.memory_space<vmem>> -> memref<8x16x256xf32, #tpu.memory_space<vmem>>
    %dma_start3A_91 = arith.constant 0 : i32
    %dma_start3A_92 = arith.constant 0 : i32
    %dma_start3A_93 = tpu.memref_slice %arg2[%add3A_76, %dma_start3A_91, %dma_start3A_92] : memref<1024x128x256xf32, #tpu.memory_space<hbm>> -> memref<8x16x256xf32, #tpu.memory_space<hbm>>
    tpu.enqueue_dma source(%dma_start3A_93 : memref<8x16x256xf32, #tpu.memory_space<hbm>>) target(%dma_start3A_90 : memref<8x16x256xf32, #tpu.memory_space<vmem>>) target_semaphore(%arg6 : memref<!tpu.dma_semaphore, #tpu.memory_space<semaphore_mem>>)
    %dma_wait3A_94 = arith.constant 1 : i32
    %dma_wait3A_95 = arith.constant 0 : i32
    %dma_wait3A_96 = arith.constant 0 : i32
    %dma_wait3A_97 = arith.constant 0 : i32
    %dma_wait3A_98 = tpu.memref_slice %arg5[%dma_wait3A_94, %dma_wait3A_95, %dma_wait3A_96, %dma_wait3A_97] : memref<3x8x16x256xf32, #tpu.memory_space<vmem>> -> memref<1x8x16x256xf32, #tpu.memory_space<vmem>>
    %dma_wait3A_99 = tpu.memref_squeeze %dma_wait3A_98 : memref<1x8x16x256xf32, #tpu.memory_space<vmem>> -> memref<8x16x256xf32, #tpu.memory_space<vmem>>
    %dma_wait3A_100 = arith.constant 0 : i32
    %dma_wait3A_101 = arith.constant 0 : i32
    %dma_wait3A_102 = tpu.memref_slice %arg2[%add3A_22, %dma_wait3A_100, %dma_wait3A_101] : memref<1024x128x256xf32, #tpu.memory_space<hbm>> -> memref<8x16x256xf32, #tpu.memory_space<hbm>>
    %dma_wait3A_103 = arith.constant 0 : i32
    %dma_wait3A_104 = arith.constant 0 : i32
    %dma_wait3A_105 = arith.constant 0 : i32
    %dma_wait3A_106 = tpu.memref_slice %arg5[%dma_wait3A_94, %dma_wait3A_103, %dma_wait3A_104, %dma_wait3A_105] : memref<3x8x16x256xf32, #tpu.memory_space<vmem>> -> memref<1x8x16x256xf32, #tpu.memory_space<vmem>>
    %dma_wait3A_107 = tpu.memref_squeeze %dma_wait3A_106 : memref<1x8x16x256xf32, #tpu.memory_space<vmem>> -> memref<8x16x256xf32, #tpu.memory_space<vmem>>
    %dma_wait3A_108 = arith.constant 0 : i32
    %dma_wait3A_109 = arith.constant 0 : i32
    %dma_wait3A_110 = tpu.memref_slice %arg2[%add3A_22, %dma_wait3A_108, %dma_wait3A_109] : memref<1024x128x256xf32, #tpu.memory_space<hbm>> -> memref<8x16x256xf32, #tpu.memory_space<hbm>>
    tpu.wait_dma2 semaphore(%arg6 : memref<!tpu.dma_semaphore, #tpu.memory_space<semaphore_mem>>) src(%dma_wait3A_110 : memref<8x16x256xf32, #tpu.memory_space<hbm>>) dst(%dma_wait3A_107 : memref<8x16x256xf32, #tpu.memory_space<vmem>>)
    %add3A_111 = arith.constant 8 : i32
    %add3A_112 = arith.addi %mul3A_2, %add3A_111 : i32
    %dma_start3A_113 = arith.constant 1 : i32
    %dma_start3A_114 = arith.constant 0 : i32
    %dma_start3A_115 = arith.constant 0 : i32
    %dma_start3A_116 = arith.constant 0 : i32
    %dma_start3A_117 = tpu.memref_slice %arg5[%dma_start3A_113, %dma_start3A_114, %dma_start3A_115, %dma_start3A_116] : memref<3x8x16x256xf32, #tpu.memory_space<vmem>> -> memref<1x8x16x256xf32, #tpu.memory_space<vmem>>
    %dma_start3A_118 = tpu.memref_squeeze %dma_start3A_117 : memref<1x8x16x256xf32, #tpu.memory_space<vmem>> -> memref<8x16x256xf32, #tpu.memory_space<vmem>>
    %dma_start3A_119 = arith.constant 0 : i32
    %dma_start3A_120 = arith.constant 0 : i32
    %dma_start3A_121 = tpu.memref_slice %arg3[%add3A_112, %dma_start3A_119, %dma_start3A_120] : memref<1024x16x256xf32, #tpu.memory_space<hbm>> -> memref<8x16x256xf32, #tpu.memory_space<hbm>>
    %dma_start3A_122 = arith.constant 0 : i32
    %dma_start3A_123 = arith.constant 0 : i32
    %dma_start3A_124 = tpu.memref_slice %arg3[%add3A_112, %dma_start3A_122, %dma_start3A_123] : memref<1024x16x256xf32, #tpu.memory_space<hbm>> -> memref<8x16x256xf32, #tpu.memory_space<hbm>>
    %dma_start3A_125 = arith.constant 0 : i32
    %dma_start3A_126 = arith.constant 0 : i32
    %dma_start3A_127 = arith.constant 0 : i32
    %dma_start3A_128 = tpu.memref_slice %arg5[%dma_start3A_113, %dma_start3A_125, %dma_start3A_126, %dma_start3A_127] : memref<3x8x16x256xf32, #tpu.memory_space<vmem>> -> memref<1x8x16x256xf32, #tpu.memory_space<vmem>>
    %dma_start3A_129 = tpu.memref_squeeze %dma_start3A_128 : memref<1x8x16x256xf32, #tpu.memory_space<vmem>> -> memref<8x16x256xf32, #tpu.memory_space<vmem>>
    tpu.enqueue_dma source(%dma_start3A_129 : memref<8x16x256xf32, #tpu.memory_space<vmem>>) target(%dma_start3A_124 : memref<8x16x256xf32, #tpu.memory_space<hbm>>) target_semaphore(%arg7 : memref<!tpu.dma_semaphore, #tpu.memory_space<semaphore_mem>>)
    %dma_wait3A_130 = arith.constant 0 : i32
    %dma_wait3A_131 = arith.constant 0 : i32
    %dma_wait3A_132 = arith.constant 0 : i32
    %dma_wait3A_133 = arith.constant 0 : i32
    %dma_wait3A_134 = tpu.memref_slice %arg5[%dma_wait3A_130, %dma_wait3A_131, %dma_wait3A_132, %dma_wait3A_133] : memref<3x8x16x256xf32, #tpu.memory_space<vmem>> -> memref<1x8x16x256xf32, #tpu.memory_space<vmem>>
    %dma_wait3A_135 = tpu.memref_squeeze %dma_wait3A_134 : memref<1x8x16x256xf32, #tpu.memory_space<vmem>> -> memref<8x16x256xf32, #tpu.memory_space<vmem>>
    %dma_wait3A_136 = arith.constant 0 : i32
    %dma_wait3A_137 = arith.constant 0 : i32
    %dma_wait3A_138 = tpu.memref_slice %arg3[%add3A_57, %dma_wait3A_136, %dma_wait3A_137] : memref<1024x16x256xf32, #tpu.memory_space<hbm>> -> memref<8x16x256xf32, #tpu.memory_space<hbm>>
    %dma_wait3A_139 = arith.constant 0 : i32
    %dma_wait3A_140 = arith.constant 0 : i32
    %dma_wait3A_141 = tpu.memref_slice %arg3[%add3A_57, %dma_wait3A_139, %dma_wait3A_140] : memref<1024x16x256xf32, #tpu.memory_space<hbm>> -> memref<8x16x256xf32, #tpu.memory_space<hbm>>
    %dma_wait3A_142 = arith.constant 0 : i32
    %dma_wait3A_143 = arith.constant 0 : i32
    %dma_wait3A_144 = arith.constant 0 : i32
    %dma_wait3A_145 = tpu.memref_slice %arg5[%dma_wait3A_130, %dma_wait3A_142, %dma_wait3A_143, %dma_wait3A_144] : memref<3x8x16x256xf32, #tpu.memory_space<vmem>> -> memref<1x8x16x256xf32, #tpu.memory_space<vmem>>
    %dma_wait3A_146 = tpu.memref_squeeze %dma_wait3A_145 : memref<1x8x16x256xf32, #tpu.memory_space<vmem>> -> memref<8x16x256xf32, #tpu.memory_space<vmem>>
    tpu.wait_dma2 semaphore(%arg7 : memref<!tpu.dma_semaphore, #tpu.memory_space<semaphore_mem>>) src(%dma_wait3A_146 : memref<8x16x256xf32, #tpu.memory_space<vmem>>) dst(%dma_wait3A_141 : memref<8x16x256xf32, #tpu.memory_space<hbm>>)
    %add3A_147 = arith.constant 24 : i32
    %add3A_148 = arith.addi %mul3A_2, %add3A_147 : i32
    %dma_start3A_149 = arith.constant 0 : i32
    %dma_start3A_150 = arith.constant 0 : i32
    %dma_start3A_151 = arith.constant 0 : i32
    %dma_start3A_152 = arith.constant 0 : i32
    %dma_start3A_153 = tpu.memref_slice %arg5[%dma_start3A_149, %dma_start3A_150, %dma_start3A_151, %dma_start3A_152] : memref<3x8x16x256xf32, #tpu.memory_space<vmem>> -> memref<1x8x16x256xf32, #tpu.memory_space<vmem>>
    %dma_start3A_154 = tpu.memref_squeeze %dma_start3A_153 : memref<1x8x16x256xf32, #tpu.memory_space<vmem>> -> memref<8x16x256xf32, #tpu.memory_space<vmem>>
    %dma_start3A_155 = arith.constant 0 : i32
    %dma_start3A_156 = arith.constant 0 : i32
    %dma_start3A_157 = tpu.memref_slice %arg2[%add3A_148, %dma_start3A_155, %dma_start3A_156] : memref<1024x128x256xf32, #tpu.memory_space<hbm>> -> memref<8x16x256xf32, #tpu.memory_space<hbm>>
    %dma_start3A_158 = arith.constant 0 : i32
    %dma_start3A_159 = arith.constant 0 : i32
    %dma_start3A_160 = arith.constant 0 : i32
    %dma_start3A_161 = tpu.memref_slice %arg5[%dma_start3A_149, %dma_start3A_158, %dma_start3A_159, %dma_start3A_160] : memref<3x8x16x256xf32, #tpu.memory_space<vmem>> -> memref<1x8x16x256xf32, #tpu.memory_space<vmem>>
    %dma_start3A_162 = tpu.memref_squeeze %dma_start3A_161 : memref<1x8x16x256xf32, #tpu.memory_space<vmem>> -> memref<8x16x256xf32, #tpu.memory_space<vmem>>
    %dma_start3A_163 = arith.constant 0 : i32
    %dma_start3A_164 = arith.constant 0 : i32
    %dma_start3A_165 = tpu.memref_slice %arg2[%add3A_148, %dma_start3A_163, %dma_start3A_164] : memref<1024x128x256xf32, #tpu.memory_space<hbm>> -> memref<8x16x256xf32, #tpu.memory_space<hbm>>
    tpu.enqueue_dma source(%dma_start3A_165 : memref<8x16x256xf32, #tpu.memory_space<hbm>>) target(%dma_start3A_162 : memref<8x16x256xf32, #tpu.memory_space<vmem>>) target_semaphore(%arg6 : memref<!tpu.dma_semaphore, #tpu.memory_space<semaphore_mem>>)
    %dma_wait3A_166 = arith.constant 2 : i32
    %dma_wait3A_167 = arith.constant 0 : i32
    %dma_wait3A_168 = arith.constant 0 : i32
    %dma_wait3A_169 = arith.constant 0 : i32
    %dma_wait3A_170 = tpu.memref_slice %arg5[%dma_wait3A_166, %dma_wait3A_167, %dma_wait3A_168, %dma_wait3A_169] : memref<3x8x16x256xf32, #tpu.memory_space<vmem>> -> memref<1x8x16x256xf32, #tpu.memory_space<vmem>>
    %dma_wait3A_171 = tpu.memref_squeeze %dma_wait3A_170 : memref<1x8x16x256xf32, #tpu.memory_space<vmem>> -> memref<8x16x256xf32, #tpu.memory_space<vmem>>
    %dma_wait3A_172 = arith.constant 0 : i32
    %dma_wait3A_173 = arith.constant 0 : i32
    %dma_wait3A_174 = tpu.memref_slice %arg2[%add3A_76, %dma_wait3A_172, %dma_wait3A_173] : memref<1024x128x256xf32, #tpu.memory_space<hbm>> -> memref<8x16x256xf32, #tpu.memory_space<hbm>>
    %dma_wait3A_175 = arith.constant 0 : i32
    %dma_wait3A_176 = arith.constant 0 : i32
    %dma_wait3A_177 = arith.constant 0 : i32
    %dma_wait3A_178 = tpu.memref_slice %arg5[%dma_wait3A_166, %dma_wait3A_175, %dma_wait3A_176, %dma_wait3A_177] : memref<3x8x16x256xf32, #tpu.memory_space<vmem>> -> memref<1x8x16x256xf32, #tpu.memory_space<vmem>>
    %dma_wait3A_179 = tpu.memref_squeeze %dma_wait3A_178 : memref<1x8x16x256xf32, #tpu.memory_space<vmem>> -> memref<8x16x256xf32, #tpu.memory_space<vmem>>
    %dma_wait3A_180 = arith.constant 0 : i32
    %dma_wait3A_181 = arith.constant 0 : i32
    %dma_wait3A_182 = tpu.memref_slice %arg2[%add3A_76, %dma_wait3A_180, %dma_wait3A_181] : memref<1024x128x256xf32, #tpu.memory_space<hbm>> -> memref<8x16x256xf32, #tpu.memory_space<hbm>>
    tpu.wait_dma2 semaphore(%arg6 : memref<!tpu.dma_semaphore, #tpu.memory_space<semaphore_mem>>) src(%dma_wait3A_182 : memref<8x16x256xf32, #tpu.memory_space<hbm>>) dst(%dma_wait3A_179 : memref<8x16x256xf32, #tpu.memory_space<vmem>>)
    %add3A_183 = arith.constant 16 : i32
    %add3A_184 = arith.addi %mul3A_2, %add3A_183 : i32
    %dma_start3A_185 = arith.constant 2 : i32
    %dma_start3A_186 = arith.constant 0 : i32
    %dma_start3A_187 = arith.constant 0 : i32
    %dma_start3A_188 = arith.constant 0 : i32
    %dma_start3A_189 = tpu.memref_slice %arg5[%dma_start3A_185, %dma_start3A_186, %dma_start3A_187, %dma_start3A_188] : memref<3x8x16x256xf32, #tpu.memory_space<vmem>> -> memref<1x8x16x256xf32, #tpu.memory_space<vmem>>
    %dma_start3A_190 = tpu.memref_squeeze %dma_start3A_189 : memref<1x8x16x256xf32, #tpu.memory_space<vmem>> -> memref<8x16x256xf32, #tpu.memory_space<vmem>>
    %dma_start3A_191 = arith.constant 0 : i32
    %dma_start3A_192 = arith.constant 0 : i32
    %dma_start3A_193 = tpu.memref_slice %arg3[%add3A_184, %dma_start3A_191, %dma_start3A_192] : memref<1024x16x256xf32, #tpu.memory_space<hbm>> -> memref<8x16x256xf32, #tpu.memory_space<hbm>>
    %dma_start3A_194 = arith.constant 0 : i32
    %dma_start3A_195 = arith.constant 0 : i32
    %dma_start3A_196 = tpu.memref_slice %arg3[%add3A_184, %dma_start3A_194, %dma_start3A_195] : memref<1024x16x256xf32, #tpu.memory_space<hbm>> -> memref<8x16x256xf32, #tpu.memory_space<hbm>>
    %dma_start3A_197 = arith.constant 0 : i32
    %dma_start3A_198 = arith.constant 0 : i32
    %dma_start3A_199 = arith.constant 0 : i32
    %dma_start3A_200 = tpu.memref_slice %arg5[%dma_start3A_185, %dma_start3A_197, %dma_start3A_198, %dma_start3A_199] : memref<3x8x16x256xf32, #tpu.memory_space<vmem>> -> memref<1x8x16x256xf32, #tpu.memory_space<vmem>>
    %dma_start3A_201 = tpu.memref_squeeze %dma_start3A_200 : memref<1x8x16x256xf32, #tpu.memory_space<vmem>> -> memref<8x16x256xf32, #tpu.memory_space<vmem>>
    tpu.enqueue_dma source(%dma_start3A_201 : memref<8x16x256xf32, #tpu.memory_space<vmem>>) target(%dma_start3A_196 : memref<8x16x256xf32, #tpu.memory_space<hbm>>) target_semaphore(%arg7 : memref<!tpu.dma_semaphore, #tpu.memory_space<semaphore_mem>>)
    %dma_wait3A_202 = arith.constant 1 : i32
    %dma_wait3A_203 = arith.constant 0 : i32
    %dma_wait3A_204 = arith.constant 0 : i32
    %dma_wait3A_205 = arith.constant 0 : i32
    %dma_wait3A_206 = tpu.memref_slice %arg5[%dma_wait3A_202, %dma_wait3A_203, %dma_wait3A_204, %dma_wait3A_205] : memref<3x8x16x256xf32, #tpu.memory_space<vmem>> -> memref<1x8x16x256xf32, #tpu.memory_space<vmem>>
    %dma_wait3A_207 = tpu.memref_squeeze %dma_wait3A_206 : memref<1x8x16x256xf32, #tpu.memory_space<vmem>> -> memref<8x16x256xf32, #tpu.memory_space<vmem>>
    %dma_wait3A_208 = arith.constant 0 : i32
    %dma_wait3A_209 = arith.constant 0 : i32
    %dma_wait3A_210 = tpu.memref_slice %arg3[%add3A_112, %dma_wait3A_208, %dma_wait3A_209] : memref<1024x16x256xf32, #tpu.memory_space<hbm>> -> memref<8x16x256xf32, #tpu.memory_space<hbm>>
    %dma_wait3A_211 = arith.constant 0 : i32
    %dma_wait3A_212 = arith.constant 0 : i32
    %dma_wait3A_213 = tpu.memref_slice %arg3[%add3A_112, %dma_wait3A_211, %dma_wait3A_212] : memref<1024x16x256xf32, #tpu.memory_space<hbm>> -> memref<8x16x256xf32, #tpu.memory_space<hbm>>
    %dma_wait3A_214 = arith.constant 0 : i32
    %dma_wait3A_215 = arith.constant 0 : i32
    %dma_wait3A_216 = arith.constant 0 : i32
    %dma_wait3A_217 = tpu.memref_slice %arg5[%dma_wait3A_202, %dma_wait3A_214, %dma_wait3A_215, %dma_wait3A_216] : memref<3x8x16x256xf32, #tpu.memory_space<vmem>> -> memref<1x8x16x256xf32, #tpu.memory_space<vmem>>
    %dma_wait3A_218 = tpu.memref_squeeze %dma_wait3A_217 : memref<1x8x16x256xf32, #tpu.memory_space<vmem>> -> memref<8x16x256xf32, #tpu.memory_space<vmem>>
    tpu.wait_dma2 semaphore(%arg7 : memref<!tpu.dma_semaphore, #tpu.memory_space<semaphore_mem>>) src(%dma_wait3A_218 : memref<8x16x256xf32, #tpu.memory_space<vmem>>) dst(%dma_wait3A_213 : memref<8x16x256xf32, #tpu.memory_space<hbm>>)
    %add3A_219 = arith.constant 0 : i32
    %add3A_220 = arith.addi %mul3A_2, %add3A_219 : i32
    %dma_start3A_221 = arith.constant 1 : i32
    %dma_start3A_222 = arith.constant 0 : i32
    %dma_start3A_223 = arith.constant 0 : i32
    %dma_start3A_224 = arith.constant 0 : i32
    %dma_start3A_225 = tpu.memref_slice %arg5[%dma_start3A_221, %dma_start3A_222, %dma_start3A_223, %dma_start3A_224] : memref<3x8x16x256xf32, #tpu.memory_space<vmem>> -> memref<1x8x16x256xf32, #tpu.memory_space<vmem>>
    %dma_start3A_226 = tpu.memref_squeeze %dma_start3A_225 : memref<1x8x16x256xf32, #tpu.memory_space<vmem>> -> memref<8x16x256xf32, #tpu.memory_space<vmem>>
    %dma_start3A_227 = arith.constant 16 : i32
    %dma_start3A_228 = arith.constant 0 : i32
    %dma_start3A_229 = tpu.memref_slice %arg2[%add3A_220, %dma_start3A_227, %dma_start3A_228] : memref<1024x128x256xf32, #tpu.memory_space<hbm>> -> memref<8x16x256xf32, #tpu.memory_space<hbm>>
    %dma_start3A_230 = arith.constant 0 : i32
    %dma_start3A_231 = arith.constant 0 : i32
    %dma_start3A_232 = arith.constant 0 : i32
    %dma_start3A_233 = tpu.memref_slice %arg5[%dma_start3A_221, %dma_start3A_230, %dma_start3A_231, %dma_start3A_232] : memref<3x8x16x256xf32, #tpu.memory_space<vmem>> -> memref<1x8x16x256xf32, #tpu.memory_space<vmem>>
    %dma_start3A_234 = tpu.memref_squeeze %dma_start3A_233 : memref<1x8x16x256xf32, #tpu.memory_space<vmem>> -> memref<8x16x256xf32, #tpu.memory_space<vmem>>
    %dma_start3A_235 = arith.constant 16 : i32
    %dma_start3A_236 = arith.constant 0 : i32
    %dma_start3A_237 = tpu.memref_slice %arg2[%add3A_220, %dma_start3A_235, %dma_start3A_236] : memref<1024x128x256xf32, #tpu.memory_space<hbm>> -> memref<8x16x256xf32, #tpu.memory_space<hbm>>
    tpu.enqueue_dma source(%dma_start3A_237 : memref<8x16x256xf32, #tpu.memory_space<hbm>>) target(%dma_start3A_234 : memref<8x16x256xf32, #tpu.memory_space<vmem>>) target_semaphore(%arg6 : memref<!tpu.dma_semaphore, #tpu.memory_space<semaphore_mem>>)
    %dma_wait3A_238 = arith.constant 0 : i32
    %dma_wait3A_239 = arith.constant 0 : i32
    %dma_wait3A_240 = arith.constant 0 : i32
    %dma_wait3A_241 = arith.constant 0 : i32
    %dma_wait3A_242 = tpu.memref_slice %arg5[%dma_wait3A_238, %dma_wait3A_239, %dma_wait3A_240, %dma_wait3A_241] : memref<3x8x16x256xf32, #tpu.memory_space<vmem>> -> memref<1x8x16x256xf32, #tpu.memory_space<vmem>>
    %dma_wait3A_243 = tpu.memref_squeeze %dma_wait3A_242 : memref<1x8x16x256xf32, #tpu.memory_space<vmem>> -> memref<8x16x256xf32, #tpu.memory_space<vmem>>
    %dma_wait3A_244 = arith.constant 0 : i32
    %dma_wait3A_245 = arith.constant 0 : i32
    %dma_wait3A_246 = tpu.memref_slice %arg2[%add3A_148, %dma_wait3A_244, %dma_wait3A_245] : memref<1024x128x256xf32, #tpu.memory_space<hbm>> -> memref<8x16x256xf32, #tpu.memory_space<hbm>>
    %dma_wait3A_247 = arith.constant 0 : i32
    %dma_wait3A_248 = arith.constant 0 : i32
    %dma_wait3A_249 = arith.constant 0 : i32
    %dma_wait3A_250 = tpu.memref_slice %arg5[%dma_wait3A_238, %dma_wait3A_247, %dma_wait3A_248, %dma_wait3A_249] : memref<3x8x16x256xf32, #tpu.memory_space<vmem>> -> memref<1x8x16x256xf32, #tpu.memory_space<vmem>>
    %dma_wait3A_251 = tpu.memref_squeeze %dma_wait3A_250 : memref<1x8x16x256xf32, #tpu.memory_space<vmem>> -> memref<8x16x256xf32, #tpu.memory_space<vmem>>
    %dma_wait3A_252 = arith.constant 0 : i32
    %dma_wait3A_253 = arith.constant 0 : i32
    %dma_wait3A_254 = tpu.memref_slice %arg2[%add3A_148, %dma_wait3A_252, %dma_wait3A_253] : memref<1024x128x256xf32, #tpu.memory_space<hbm>> -> memref<8x16x256xf32, #tpu.memory_space<hbm>>
    tpu.wait_dma2 semaphore(%arg6 : memref<!tpu.dma_semaphore, #tpu.memory_space<semaphore_mem>>) src(%dma_wait3A_254 : memref<8x16x256xf32, #tpu.memory_space<hbm>>) dst(%dma_wait3A_251 : memref<8x16x256xf32, #tpu.memory_space<vmem>>)
    %add3A_255 = arith.constant 24 : i32
    %add3A_256 = arith.addi %mul3A_2, %add3A_255 : i32
    %dma_start3A_257 = arith.constant 0 : i32
    %dma_start3A_258 = arith.constant 0 : i32
    %dma_start3A_259 = arith.constant 0 : i32
    %dma_start3A_260 = arith.constant 0 : i32
    %dma_start3A_261 = tpu.memref_slice %arg5[%dma_start3A_257, %dma_start3A_258, %dma_start3A_259, %dma_start3A_260] : memref<3x8x16x256xf32, #tpu.memory_space<vmem>> -> memref<1x8x16x256xf32, #tpu.memory_space<vmem>>
    %dma_start3A_262 = tpu.memref_squeeze %dma_start3A_261 : memref<1x8x16x256xf32, #tpu.memory_space<vmem>> -> memref<8x16x256xf32, #tpu.memory_space<vmem>>
    %dma_start3A_263 = arith.constant 0 : i32
    %dma_start3A_264 = arith.constant 0 : i32
    %dma_start3A_265 = tpu.memref_slice %arg3[%add3A_256, %dma_start3A_263, %dma_start3A_264] : memref<1024x16x256xf32, #tpu.memory_space<hbm>> -> memref<8x16x256xf32, #tpu.memory_space<hbm>>
    %dma_start3A_266 = arith.constant 0 : i32
    %dma_start3A_267 = arith.constant 0 : i32
    %dma_start3A_268 = tpu.memref_slice %arg3[%add3A_256, %dma_start3A_266, %dma_start3A_267] : memref<1024x16x256xf32, #tpu.memory_space<hbm>> -> memref<8x16x256xf32, #tpu.memory_space<hbm>>
    %dma_start3A_269 = arith.constant 0 : i32
    %dma_start3A_270 = arith.constant 0 : i32
    %dma_start3A_271 = arith.constant 0 : i32
    %dma_start3A_272 = tpu.memref_slice %arg5[%dma_start3A_257, %dma_start3A_269, %dma_start3A_270, %dma_start3A_271] : memref<3x8x16x256xf32, #tpu.memory_space<vmem>> -> memref<1x8x16x256xf32, #tpu.memory_space<vmem>>
    %dma_start3A_273 = tpu.memref_squeeze %dma_start3A_272 : memref<1x8x16x256xf32, #tpu.memory_space<vmem>> -> memref<8x16x256xf32, #tpu.memory_space<vmem>>
    tpu.enqueue_dma source(%dma_start3A_273 : memref<8x16x256xf32, #tpu.memory_space<vmem>>) target(%dma_start3A_268 : memref<8x16x256xf32, #tpu.memory_space<hbm>>) target_semaphore(%arg7 : memref<!tpu.dma_semaphore, #tpu.memory_space<semaphore_mem>>)
    %dma_wait3A_274 = arith.constant 2 : i32
    %dma_wait3A_275 = arith.constant 0 : i32
    %dma_wait3A_276 = arith.constant 0 : i32
    %dma_wait3A_277 = arith.constant 0 : i32
    %dma_wait3A_278 = tpu.memref_slice %arg5[%dma_wait3A_274, %dma_wait3A_275, %dma_wait3A_276, %dma_wait3A_277] : memref<3x8x16x256xf32, #tpu.memory_space<vmem>> -> memref<1x8x16x256xf32, #tpu.memory_space<vmem>>
    %dma_wait3A_279 = tpu.memref_squeeze %dma_wait3A_278 : memref<1x8x16x256xf32, #tpu.memory_space<vmem>> -> memref<8x16x256xf32, #tpu.memory_space<vmem>>
    %dma_wait3A_280 = arith.constant 0 : i32
    %dma_wait3A_281 = arith.constant 0 : i32
    %dma_wait3A_282 = tpu.memref_slice %arg3[%add3A_184, %dma_wait3A_280, %dma_wait3A_281] : memref<1024x16x256xf32, #tpu.memory_space<hbm>> -> memref<8x16x256xf32, #tpu.memory_space<hbm>>
    %dma_wait3A_283 = arith.constant 0 : i32
    %dma_wait3A_284 = arith.constant 0 : i32
    %dma_wait3A_285 = tpu.memref_slice %arg3[%add3A_184, %dma_wait3A_283, %dma_wait3A_284] : memref<1024x16x256xf32, #tpu.memory_space<hbm>> -> memref<8x16x256xf32, #tpu.memory_space<hbm>>
    %dma_wait3A_286 = arith.constant 0 : i32
    %dma_wait3A_287 = arith.constant 0 : i32
    %dma_wait3A_288 = arith.constant 0 : i32
    %dma_wait3A_289 = tpu.memref_slice %arg5[%dma_wait3A_274, %dma_wait3A_286, %dma_wait3A_287, %dma_wait3A_288] : memref<3x8x16x256xf32, #tpu.memory_space<vmem>> -> memref<1x8x16x256xf32, #tpu.memory_space<vmem>>
    %dma_wait3A_290 = tpu.memref_squeeze %dma_wait3A_289 : memref<1x8x16x256xf32, #tpu.memory_space<vmem>> -> memref<8x16x256xf32, #tpu.memory_space<vmem>>
    tpu.wait_dma2 semaphore(%arg7 : memref<!tpu.dma_semaphore, #tpu.memory_space<semaphore_mem>>) src(%dma_wait3A_290 : memref<8x16x256xf32, #tpu.memory_space<vmem>>) dst(%dma_wait3A_285 : memref<8x16x256xf32, #tpu.memory_space<hbm>>)
    %add3A_291 = arith.constant 8 : i32
    %add3A_292 = arith.addi %mul3A_2, %add3A_291 : i32
    %dma_start3A_293 = arith.constant 2 : i32
    %dma_start3A_294 = arith.constant 0 : i32
    %dma_start3A_295 = arith.constant 0 : i32
    %dma_start3A_296 = arith.constant 0 : i32
    %dma_start3A_297 = tpu.memref_slice %arg5[%dma_start3A_293, %dma_start3A_294, %dma_start3A_295, %dma_start3A_296] : memref<3x8x16x256xf32, #tpu.memory_space<vmem>> -> memref<1x8x16x256xf32, #tpu.memory_space<vmem>>
    %dma_start3A_298 = tpu.memref_squeeze %dma_start3A_297 : memref<1x8x16x256xf32, #tpu.memory_space<vmem>> -> memref<8x16x256xf32, #tpu.memory_space<vmem>>
    %dma_start3A_299 = arith.constant 16 : i32
    %dma_start3A_300 = arith.constant 0 : i32
    %dma_start3A_301 = tpu.memref_slice %arg2[%add3A_292, %dma_start3A_299, %dma_start3A_300] : memref<1024x128x256xf32, #tpu.memory_space<hbm>> -> memref<8x16x256xf32, #tpu.memory_space<hbm>>
    %dma_start3A_302 = arith.constant 0 : i32
    %dma_start3A_303 = arith.constant 0 : i32
    %dma_start3A_304 = arith.constant 0 : i32
    %dma_start3A_305 = tpu.memref_slice %arg5[%dma_start3A_293, %dma_start3A_302, %dma_start3A_303, %dma_start3A_304] : memref<3x8x16x256xf32, #tpu.memory_space<vmem>> -> memref<1x8x16x256xf32, #tpu.memory_space<vmem>>
    %dma_start3A_306 = tpu.memref_squeeze %dma_start3A_305 : memref<1x8x16x256xf32, #tpu.memory_space<vmem>> -> memref<8x16x256xf32, #tpu.memory_space<vmem>>
    %dma_start3A_307 = arith.constant 16 : i32
    %dma_start3A_308 = arith.constant 0 : i32
    %dma_start3A_309 = tpu.memref_slice %arg2[%add3A_292, %dma_start3A_307, %dma_start3A_308] : memref<1024x128x256xf32, #tpu.memory_space<hbm>> -> memref<8x16x256xf32, #tpu.memory_space<hbm>>
    tpu.enqueue_dma source(%dma_start3A_309 : memref<8x16x256xf32, #tpu.memory_space<hbm>>) target(%dma_start3A_306 : memref<8x16x256xf32, #tpu.memory_space<vmem>>) target_semaphore(%arg6 : memref<!tpu.dma_semaphore, #tpu.memory_space<semaphore_mem>>)
    %dma_wait3A_310 = arith.constant 1 : i32
    %dma_wait3A_311 = arith.constant 0 : i32
    %dma_wait3A_312 = arith.constant 0 : i32
    %dma_wait3A_313 = arith.constant 0 : i32
    %dma_wait3A_314 = tpu.memref_slice %arg5[%dma_wait3A_310, %dma_wait3A_311, %dma_wait3A_312, %dma_wait3A_313] : memref<3x8x16x256xf32, #tpu.memory_space<vmem>> -> memref<1x8x16x256xf32, #tpu.memory_space<vmem>>
    %dma_wait3A_315 = tpu.memref_squeeze %dma_wait3A_314 : memref<1x8x16x256xf32, #tpu.memory_space<vmem>> -> memref<8x16x256xf32, #tpu.memory_space<vmem>>
    %dma_wait3A_316 = arith.constant 16 : i32
    %dma_wait3A_317 = arith.constant 0 : i32
    %dma_wait3A_318 = tpu.memref_slice %arg2[%add3A_220, %dma_wait3A_316, %dma_wait3A_317] : memref<1024x128x256xf32, #tpu.memory_space<hbm>> -> memref<8x16x256xf32, #tpu.memory_space<hbm>>
    %dma_wait3A_319 = arith.constant 0 : i32
    %dma_wait3A_320 = arith.constant 0 : i32
    %dma_wait3A_321 = arith.constant 0 : i32
    %dma_wait3A_322 = tpu.memref_slice %arg5[%dma_wait3A_310, %dma_wait3A_319, %dma_wait3A_320, %dma_wait3A_321] : memref<3x8x16x256xf32, #tpu.memory_space<vmem>> -> memref<1x8x16x256xf32, #tpu.memory_space<vmem>>
    %dma_wait3A_323 = tpu.memref_squeeze %dma_wait3A_322 : memref<1x8x16x256xf32, #tpu.memory_space<vmem>> -> memref<8x16x256xf32, #tpu.memory_space<vmem>>
    %dma_wait3A_324 = arith.constant 16 : i32
    %dma_wait3A_325 = arith.constant 0 : i32
    %dma_wait3A_326 = tpu.memref_slice %arg2[%add3A_220, %dma_wait3A_324, %dma_wait3A_325] : memref<1024x128x256xf32, #tpu.memory_space<hbm>> -> memref<8x16x256xf32, #tpu.memory_space<hbm>>
    tpu.wait_dma2 semaphore(%arg6 : memref<!tpu.dma_semaphore, #tpu.memory_space<semaphore_mem>>) src(%dma_wait3A_326 : memref<8x16x256xf32, #tpu.memory_space<hbm>>) dst(%dma_wait3A_323 : memref<8x16x256xf32, #tpu.memory_space<vmem>>)
    %add3A_327 = arith.constant 0 : i32
    %add3A_328 = arith.addi %mul3A_2, %add3A_327 : i32
    %dma_start3A_329 = arith.constant 1 : i32
    %dma_start3A_330 = arith.constant 0 : i32
    %dma_start3A_331 = arith.constant 0 : i32
    %dma_start3A_332 = arith.constant 0 : i32
    %dma_start3A_333 = tpu.memref_slice %arg5[%dma_start3A_329, %dma_start3A_330, %dma_start3A_331, %dma_start3A_332] : memref<3x8x16x256xf32, #tpu.memory_space<vmem>> -> memref<1x8x16x256xf32, #tpu.memory_space<vmem>>
    %dma_start3A_334 = tpu.memref_squeeze %dma_start3A_333 : memref<1x8x16x256xf32, #tpu.memory_space<vmem>> -> memref<8x16x256xf32, #tpu.memory_space<vmem>>
    %dma_start3A_335 = arith.constant 0 : i32
    %dma_start3A_336 = arith.constant 0 : i32
    %dma_start3A_337 = tpu.memref_slice %arg4[%add3A_328, %dma_start3A_335, %dma_start3A_336] : memref<1024x16x256xf32, #tpu.memory_space<hbm>> -> memref<8x16x256xf32, #tpu.memory_space<hbm>>
    %dma_start3A_338 = arith.constant 0 : i32
    %dma_start3A_339 = arith.constant 0 : i32
    %dma_start3A_340 = tpu.memref_slice %arg4[%add3A_328, %dma_start3A_338, %dma_start3A_339] : memref<1024x16x256xf32, #tpu.memory_space<hbm>> -> memref<8x16x256xf32, #tpu.memory_space<hbm>>
    %dma_start3A_341 = arith.constant 0 : i32
    %dma_start3A_342 = arith.constant 0 : i32
    %dma_start3A_343 = arith.constant 0 : i32
    %dma_start3A_344 = tpu.memref_slice %arg5[%dma_start3A_329, %dma_start3A_341, %dma_start3A_342, %dma_start3A_343] : memref<3x8x16x256xf32, #tpu.memory_space<vmem>> -> memref<1x8x16x256xf32, #tpu.memory_space<vmem>>
    %dma_start3A_345 = tpu.memref_squeeze %dma_start3A_344 : memref<1x8x16x256xf32, #tpu.memory_space<vmem>> -> memref<8x16x256xf32, #tpu.memory_space<vmem>>
    tpu.enqueue_dma source(%dma_start3A_345 : memref<8x16x256xf32, #tpu.memory_space<vmem>>) target(%dma_start3A_340 : memref<8x16x256xf32, #tpu.memory_space<hbm>>) target_semaphore(%arg7 : memref<!tpu.dma_semaphore, #tpu.memory_space<semaphore_mem>>)
    %dma_wait3A_346 = arith.constant 0 : i32
    %dma_wait3A_347 = arith.constant 0 : i32
    %dma_wait3A_348 = arith.constant 0 : i32
    %dma_wait3A_349 = arith.constant 0 : i32
    %dma_wait3A_350 = tpu.memref_slice %arg5[%dma_wait3A_346, %dma_wait3A_347, %dma_wait3A_348, %dma_wait3A_349] : memref<3x8x16x256xf32, #tpu.memory_space<vmem>> -> memref<1x8x16x256xf32, #tpu.memory_space<vmem>>
    %dma_wait3A_351 = tpu.memref_squeeze %dma_wait3A_350 : memref<1x8x16x256xf32, #tpu.memory_space<vmem>> -> memref<8x16x256xf32, #tpu.memory_space<vmem>>
    %dma_wait3A_352 = arith.constant 0 : i32
    %dma_wait3A_353 = arith.constant 0 : i32
    %dma_wait3A_354 = tpu.memref_slice %arg3[%add3A_256, %dma_wait3A_352, %dma_wait3A_353] : memref<1024x16x256xf32, #tpu.memory_space<hbm>> -> memref<8x16x256xf32, #tpu.memory_space<hbm>>
    %dma_wait3A_355 = arith.constant 0 : i32
    %dma_wait3A_356 = arith.constant 0 : i32
    %dma_wait3A_357 = tpu.memref_slice %arg3[%add3A_256, %dma_wait3A_355, %dma_wait3A_356] : memref<1024x16x256xf32, #tpu.memory_space<hbm>> -> memref<8x16x256xf32, #tpu.memory_space<hbm>>
    %dma_wait3A_358 = arith.constant 0 : i32
    %dma_wait3A_359 = arith.constant 0 : i32
    %dma_wait3A_360 = arith.constant 0 : i32
    %dma_wait3A_361 = tpu.memref_slice %arg5[%dma_wait3A_346, %dma_wait3A_358, %dma_wait3A_359, %dma_wait3A_360] : memref<3x8x16x256xf32, #tpu.memory_space<vmem>> -> memref<1x8x16x256xf32, #tpu.memory_space<vmem>>
    %dma_wait3A_362 = tpu.memref_squeeze %dma_wait3A_361 : memref<1x8x16x256xf32, #tpu.memory_space<vmem>> -> memref<8x16x256xf32, #tpu.memory_space<vmem>>
    tpu.wait_dma2 semaphore(%arg7 : memref<!tpu.dma_semaphore, #tpu.memory_space<semaphore_mem>>) src(%dma_wait3A_362 : memref<8x16x256xf32, #tpu.memory_space<vmem>>) dst(%dma_wait3A_357 : memref<8x16x256xf32, #tpu.memory_space<hbm>>)
    %add3A_363 = arith.constant 16 : i32
    %add3A_364 = arith.addi %mul3A_2, %add3A_363 : i32
    %dma_start3A_365 = arith.constant 0 : i32
    %dma_start3A_366 = arith.constant 0 : i32
    %dma_start3A_367 = arith.constant 0 : i32
    %dma_start3A_368 = arith.constant 0 : i32
    %dma_start3A_369 = tpu.memref_slice %arg5[%dma_start3A_365, %dma_start3A_366, %dma_start3A_367, %dma_start3A_368] : memref<3x8x16x256xf32, #tpu.memory_space<vmem>> -> memref<1x8x16x256xf32, #tpu.memory_space<vmem>>
    %dma_start3A_370 = tpu.memref_squeeze %dma_start3A_369 : memref<1x8x16x256xf32, #tpu.memory_space<vmem>> -> memref<8x16x256xf32, #tpu.memory_space<vmem>>
    %dma_start3A_371 = arith.constant 16 : i32
    %dma_start3A_372 = arith.constant 0 : i32
    %dma_start3A_373 = tpu.memref_slice %arg2[%add3A_364, %dma_start3A_371, %dma_start3A_372] : memref<1024x128x256xf32, #tpu.memory_space<hbm>> -> memref<8x16x256xf32, #tpu.memory_space<hbm>>
    %dma_start3A_374 = arith.constant 0 : i32
    %dma_start3A_375 = arith.constant 0 : i32
    %dma_start3A_376 = arith.constant 0 : i32
    %dma_start3A_377 = tpu.memref_slice %arg5[%dma_start3A_365, %dma_start3A_374, %dma_start3A_375, %dma_start3A_376] : memref<3x8x16x256xf32, #tpu.memory_space<vmem>> -> memref<1x8x16x256xf32, #tpu.memory_space<vmem>>
    %dma_start3A_378 = tpu.memref_squeeze %dma_start3A_377 : memref<1x8x16x256xf32, #tpu.memory_space<vmem>> -> memref<8x16x256xf32, #tpu.memory_space<vmem>>
    %dma_start3A_379 = arith.constant 16 : i32
    %dma_start3A_380 = arith.constant 0 : i32
    %dma_start3A_381 = tpu.memref_slice %arg2[%add3A_364, %dma_start3A_379, %dma_start3A_380] : memref<1024x128x256xf32, #tpu.memory_space<hbm>> -> memref<8x16x256xf32, #tpu.memory_space<hbm>>
    tpu.enqueue_dma source(%dma_start3A_381 : memref<8x16x256xf32, #tpu.memory_space<hbm>>) target(%dma_start3A_378 : memref<8x16x256xf32, #tpu.memory_space<vmem>>) target_semaphore(%arg6 : memref<!tpu.dma_semaphore, #tpu.memory_space<semaphore_mem>>)
    %dma_wait3A_382 = arith.constant 2 : i32
    %dma_wait3A_383 = arith.constant 0 : i32
    %dma_wait3A_384 = arith.constant 0 : i32
    %dma_wait3A_385 = arith.constant 0 : i32
    %dma_wait3A_386 = tpu.memref_slice %arg5[%dma_wait3A_382, %dma_wait3A_383, %dma_wait3A_384, %dma_wait3A_385] : memref<3x8x16x256xf32, #tpu.memory_space<vmem>> -> memref<1x8x16x256xf32, #tpu.memory_space<vmem>>
    %dma_wait3A_387 = tpu.memref_squeeze %dma_wait3A_386 : memref<1x8x16x256xf32, #tpu.memory_space<vmem>> -> memref<8x16x256xf32, #tpu.memory_space<vmem>>
    %dma_wait3A_388 = arith.constant 16 : i32
    %dma_wait3A_389 = arith.constant 0 : i32
    %dma_wait3A_390 = tpu.memref_slice %arg2[%add3A_292, %dma_wait3A_388, %dma_wait3A_389] : memref<1024x128x256xf32, #tpu.memory_space<hbm>> -> memref<8x16x256xf32, #tpu.memory_space<hbm>>
    %dma_wait3A_391 = arith.constant 0 : i32
    %dma_wait3A_392 = arith.constant 0 : i32
    %dma_wait3A_393 = arith.constant 0 : i32
    %dma_wait3A_394 = tpu.memref_slice %arg5[%dma_wait3A_382, %dma_wait3A_391, %dma_wait3A_392, %dma_wait3A_393] : memref<3x8x16x256xf32, #tpu.memory_space<vmem>> -> memref<1x8x16x256xf32, #tpu.memory_space<vmem>>
    %dma_wait3A_395 = tpu.memref_squeeze %dma_wait3A_394 : memref<1x8x16x256xf32, #tpu.memory_space<vmem>> -> memref<8x16x256xf32, #tpu.memory_space<vmem>>
    %dma_wait3A_396 = arith.constant 16 : i32
    %dma_wait3A_397 = arith.constant 0 : i32
    %dma_wait3A_398 = tpu.memref_slice %arg2[%add3A_292, %dma_wait3A_396, %dma_wait3A_397] : memref<1024x128x256xf32, #tpu.memory_space<hbm>> -> memref<8x16x256xf32, #tpu.memory_space<hbm>>
    tpu.wait_dma2 semaphore(%arg6 : memref<!tpu.dma_semaphore, #tpu.memory_space<semaphore_mem>>) src(%dma_wait3A_398 : memref<8x16x256xf32, #tpu.memory_space<hbm>>) dst(%dma_wait3A_395 : memref<8x16x256xf32, #tpu.memory_space<vmem>>)
    %add3A_399 = arith.constant 8 : i32
    %add3A_400 = arith.addi %mul3A_2, %add3A_399 : i32
    %dma_start3A_401 = arith.constant 2 : i32
    %dma_start3A_402 = arith.constant 0 : i32
    %dma_start3A_403 = arith.constant 0 : i32
    %dma_start3A_404 = arith.constant 0 : i32
    %dma_start3A_405 = tpu.memref_slice %arg5[%dma_start3A_401, %dma_start3A_402, %dma_start3A_403, %dma_start3A_404] : memref<3x8x16x256xf32, #tpu.memory_space<vmem>> -> memref<1x8x16x256xf32, #tpu.memory_space<vmem>>
    %dma_start3A_406 = tpu.memref_squeeze %dma_start3A_405 : memref<1x8x16x256xf32, #tpu.memory_space<vmem>> -> memref<8x16x256xf32, #tpu.memory_space<vmem>>
    %dma_start3A_407 = arith.constant 0 : i32
    %dma_start3A_408 = arith.constant 0 : i32
    %dma_start3A_409 = tpu.memref_slice %arg4[%add3A_400, %dma_start3A_407, %dma_start3A_408] : memref<1024x16x256xf32, #tpu.memory_space<hbm>> -> memref<8x16x256xf32, #tpu.memory_space<hbm>>
    %dma_start3A_410 = arith.constant 0 : i32
    %dma_start3A_411 = arith.constant 0 : i32
    %dma_start3A_412 = tpu.memref_slice %arg4[%add3A_400, %dma_start3A_410, %dma_start3A_411] : memref<1024x16x256xf32, #tpu.memory_space<hbm>> -> memref<8x16x256xf32, #tpu.memory_space<hbm>>
    %dma_start3A_413 = arith.constant 0 : i32
    %dma_start3A_414 = arith.constant 0 : i32
    %dma_start3A_415 = arith.constant 0 : i32
    %dma_start3A_416 = tpu.memref_slice %arg5[%dma_start3A_401, %dma_start3A_413, %dma_start3A_414, %dma_start3A_415] : memref<3x8x16x256xf32, #tpu.memory_space<vmem>> -> memref<1x8x16x256xf32, #tpu.memory_space<vmem>>
    %dma_start3A_417 = tpu.memref_squeeze %dma_start3A_416 : memref<1x8x16x256xf32, #tpu.memory_space<vmem>> -> memref<8x16x256xf32, #tpu.memory_space<vmem>>
    tpu.enqueue_dma source(%dma_start3A_417 : memref<8x16x256xf32, #tpu.memory_space<vmem>>) target(%dma_start3A_412 : memref<8x16x256xf32, #tpu.memory_space<hbm>>) target_semaphore(%arg7 : memref<!tpu.dma_semaphore, #tpu.memory_space<semaphore_mem>>)
    %dma_wait3A_418 = arith.constant 1 : i32
    %dma_wait3A_419 = arith.constant 0 : i32
    %dma_wait3A_420 = arith.constant 0 : i32
    %dma_wait3A_421 = arith.constant 0 : i32
    %dma_wait3A_422 = tpu.memref_slice %arg5[%dma_wait3A_418, %dma_wait3A_419, %dma_wait3A_420, %dma_wait3A_421] : memref<3x8x16x256xf32, #tpu.memory_space<vmem>> -> memref<1x8x16x256xf32, #tpu.memory_space<vmem>>
    %dma_wait3A_423 = tpu.memref_squeeze %dma_wait3A_422 : memref<1x8x16x256xf32, #tpu.memory_space<vmem>> -> memref<8x16x256xf32, #tpu.memory_space<vmem>>
    %dma_wait3A_424 = arith.constant 0 : i32
    %dma_wait3A_425 = arith.constant 0 : i32
    %dma_wait3A_426 = tpu.memref_slice %arg4[%add3A_328, %dma_wait3A_424, %dma_wait3A_425] : memref<1024x16x256xf32, #tpu.memory_space<hbm>> -> memref<8x16x256xf32, #tpu.memory_space<hbm>>
    %dma_wait3A_427 = arith.constant 0 : i32
    %dma_wait3A_428 = arith.constant 0 : i32
    %dma_wait3A_429 = tpu.memref_slice %arg4[%add3A_328, %dma_wait3A_427, %dma_wait3A_428] : memref<1024x16x256xf32, #tpu.memory_space<hbm>> -> memref<8x16x256xf32, #tpu.memory_space<hbm>>
    %dma_wait3A_430 = arith.constant 0 : i32
    %dma_wait3A_431 = arith.constant 0 : i32
    %dma_wait3A_432 = arith.constant 0 : i32
    %dma_wait3A_433 = tpu.memref_slice %arg5[%dma_wait3A_418, %dma_wait3A_430, %dma_wait3A_431, %dma_wait3A_432] : memref<3x8x16x256xf32, #tpu.memory_space<vmem>> -> memref<1x8x16x256xf32, #tpu.memory_space<vmem>>
    %dma_wait3A_434 = tpu.memref_squeeze %dma_wait3A_433 : memref<1x8x16x256xf32, #tpu.memory_space<vmem>> -> memref<8x16x256xf32, #tpu.memory_space<vmem>>
    tpu.wait_dma2 semaphore(%arg7 : memref<!tpu.dma_semaphore, #tpu.memory_space<semaphore_mem>>) src(%dma_wait3A_434 : memref<8x16x256xf32, #tpu.memory_space<vmem>>) dst(%dma_wait3A_429 : memref<8x16x256xf32, #tpu.memory_space<hbm>>)
    %add3A_435 = arith.constant 24 : i32
    %add3A_436 = arith.addi %mul3A_2, %add3A_435 : i32
    %dma_start3A_437 = arith.constant 1 : i32
    %dma_start3A_438 = arith.constant 0 : i32
    %dma_start3A_439 = arith.constant 0 : i32
    %dma_start3A_440 = arith.constant 0 : i32
    %dma_start3A_441 = tpu.memref_slice %arg5[%dma_start3A_437, %dma_start3A_438, %dma_start3A_439, %dma_start3A_440] : memref<3x8x16x256xf32, #tpu.memory_space<vmem>> -> memref<1x8x16x256xf32, #tpu.memory_space<vmem>>
    %dma_start3A_442 = tpu.memref_squeeze %dma_start3A_441 : memref<1x8x16x256xf32, #tpu.memory_space<vmem>> -> memref<8x16x256xf32, #tpu.memory_space<vmem>>
    %dma_start3A_443 = arith.constant 16 : i32
    %dma_start3A_444 = arith.constant 0 : i32
    %dma_start3A_445 = tpu.memref_slice %arg2[%add3A_436, %dma_start3A_443, %dma_start3A_444] : memref<1024x128x256xf32, #tpu.memory_space<hbm>> -> memref<8x16x256xf32, #tpu.memory_space<hbm>>
    %dma_start3A_446 = arith.constant 0 : i32
    %dma_start3A_447 = arith.constant 0 : i32
    %dma_start3A_448 = arith.constant 0 : i32
    %dma_start3A_449 = tpu.memref_slice %arg5[%dma_start3A_437, %dma_start3A_446, %dma_start3A_447, %dma_start3A_448] : memref<3x8x16x256xf32, #tpu.memory_space<vmem>> -> memref<1x8x16x256xf32, #tpu.memory_space<vmem>>
    %dma_start3A_450 = tpu.memref_squeeze %dma_start3A_449 : memref<1x8x16x256xf32, #tpu.memory_space<vmem>> -> memref<8x16x256xf32, #tpu.memory_space<vmem>>
    %dma_start3A_451 = arith.constant 16 : i32
    %dma_start3A_452 = arith.constant 0 : i32
    %dma_start3A_453 = tpu.memref_slice %arg2[%add3A_436, %dma_start3A_451, %dma_start3A_452] : memref<1024x128x256xf32, #tpu.memory_space<hbm>> -> memref<8x16x256xf32, #tpu.memory_space<hbm>>
    tpu.enqueue_dma source(%dma_start3A_453 : memref<8x16x256xf32, #tpu.memory_space<hbm>>) target(%dma_start3A_450 : memref<8x16x256xf32, #tpu.memory_space<vmem>>) target_semaphore(%arg6 : memref<!tpu.dma_semaphore, #tpu.memory_space<semaphore_mem>>)
    %dma_wait3A_454 = arith.constant 0 : i32
    %dma_wait3A_455 = arith.constant 0 : i32
    %dma_wait3A_456 = arith.constant 0 : i32
    %dma_wait3A_457 = arith.constant 0 : i32
    %dma_wait3A_458 = tpu.memref_slice %arg5[%dma_wait3A_454, %dma_wait3A_455, %dma_wait3A_456, %dma_wait3A_457] : memref<3x8x16x256xf32, #tpu.memory_space<vmem>> -> memref<1x8x16x256xf32, #tpu.memory_space<vmem>>
    %dma_wait3A_459 = tpu.memref_squeeze %dma_wait3A_458 : memref<1x8x16x256xf32, #tpu.memory_space<vmem>> -> memref<8x16x256xf32, #tpu.memory_space<vmem>>
    %dma_wait3A_460 = arith.constant 16 : i32
    %dma_wait3A_461 = arith.constant 0 : i32
    %dma_wait3A_462 = tpu.memref_slice %arg2[%add3A_364, %dma_wait3A_460, %dma_wait3A_461] : memref<1024x128x256xf32, #tpu.memory_space<hbm>> -> memref<8x16x256xf32, #tpu.memory_space<hbm>>
    %dma_wait3A_463 = arith.constant 0 : i32
    %dma_wait3A_464 = arith.constant 0 : i32
    %dma_wait3A_465 = arith.constant 0 : i32
    %dma_wait3A_466 = tpu.memref_slice %arg5[%dma_wait3A_454, %dma_wait3A_463, %dma_wait3A_464, %dma_wait3A_465] : memref<3x8x16x256xf32, #tpu.memory_space<vmem>> -> memref<1x8x16x256xf32, #tpu.memory_space<vmem>>
    %dma_wait3A_467 = tpu.memref_squeeze %dma_wait3A_466 : memref<1x8x16x256xf32, #tpu.memory_space<vmem>> -> memref<8x16x256xf32, #tpu.memory_space<vmem>>
    %dma_wait3A_468 = arith.constant 16 : i32
    %dma_wait3A_469 = arith.constant 0 : i32
    %dma_wait3A_470 = tpu.memref_slice %arg2[%add3A_364, %dma_wait3A_468, %dma_wait3A_469] : memref<1024x128x256xf32, #tpu.memory_space<hbm>> -> memref<8x16x256xf32, #tpu.memory_space<hbm>>
    tpu.wait_dma2 semaphore(%arg6 : memref<!tpu.dma_semaphore, #tpu.memory_space<semaphore_mem>>) src(%dma_wait3A_470 : memref<8x16x256xf32, #tpu.memory_space<hbm>>) dst(%dma_wait3A_467 : memref<8x16x256xf32, #tpu.memory_space<vmem>>)
    %add3A_471 = arith.constant 16 : i32
    %add3A_472 = arith.addi %mul3A_2, %add3A_471 : i32
    %dma_start3A_473 = arith.constant 0 : i32
    %dma_start3A_474 = arith.constant 0 : i32
    %dma_start3A_475 = arith.constant 0 : i32
    %dma_start3A_476 = arith.constant 0 : i32
    %dma_start3A_477 = tpu.memref_slice %arg5[%dma_start3A_473, %dma_start3A_474, %dma_start3A_475, %dma_start3A_476] : memref<3x8x16x256xf32, #tpu.memory_space<vmem>> -> memref<1x8x16x256xf32, #tpu.memory_space<vmem>>
    %dma_start3A_478 = tpu.memref_squeeze %dma_start3A_477 : memref<1x8x16x256xf32, #tpu.memory_space<vmem>> -> memref<8x16x256xf32, #tpu.memory_space<vmem>>
    %dma_start3A_479 = arith.constant 0 : i32
    %dma_start3A_480 = arith.constant 0 : i32
    %dma_start3A_481 = tpu.memref_slice %arg4[%add3A_472, %dma_start3A_479, %dma_start3A_480] : memref<1024x16x256xf32, #tpu.memory_space<hbm>> -> memref<8x16x256xf32, #tpu.memory_space<hbm>>
    %dma_start3A_482 = arith.constant 0 : i32
    %dma_start3A_483 = arith.constant 0 : i32
    %dma_start3A_484 = tpu.memref_slice %arg4[%add3A_472, %dma_start3A_482, %dma_start3A_483] : memref<1024x16x256xf32, #tpu.memory_space<hbm>> -> memref<8x16x256xf32, #tpu.memory_space<hbm>>
    %dma_start3A_485 = arith.constant 0 : i32
    %dma_start3A_486 = arith.constant 0 : i32
    %dma_start3A_487 = arith.constant 0 : i32
    %dma_start3A_488 = tpu.memref_slice %arg5[%dma_start3A_473, %dma_start3A_485, %dma_start3A_486, %dma_start3A_487] : memref<3x8x16x256xf32, #tpu.memory_space<vmem>> -> memref<1x8x16x256xf32, #tpu.memory_space<vmem>>
    %dma_start3A_489 = tpu.memref_squeeze %dma_start3A_488 : memref<1x8x16x256xf32, #tpu.memory_space<vmem>> -> memref<8x16x256xf32, #tpu.memory_space<vmem>>
    tpu.enqueue_dma source(%dma_start3A_489 : memref<8x16x256xf32, #tpu.memory_space<vmem>>) target(%dma_start3A_484 : memref<8x16x256xf32, #tpu.memory_space<hbm>>) target_semaphore(%arg7 : memref<!tpu.dma_semaphore, #tpu.memory_space<semaphore_mem>>)
    %dma_wait3A_490 = arith.constant 2 : i32
    %dma_wait3A_491 = arith.constant 0 : i32
    %dma_wait3A_492 = arith.constant 0 : i32
    %dma_wait3A_493 = arith.constant 0 : i32
    %dma_wait3A_494 = tpu.memref_slice %arg5[%dma_wait3A_490, %dma_wait3A_491, %dma_wait3A_492, %dma_wait3A_493] : memref<3x8x16x256xf32, #tpu.memory_space<vmem>> -> memref<1x8x16x256xf32, #tpu.memory_space<vmem>>
    %dma_wait3A_495 = tpu.memref_squeeze %dma_wait3A_494 : memref<1x8x16x256xf32, #tpu.memory_space<vmem>> -> memref<8x16x256xf32, #tpu.memory_space<vmem>>
    %dma_wait3A_496 = arith.constant 0 : i32
    %dma_wait3A_497 = arith.constant 0 : i32
    %dma_wait3A_498 = tpu.memref_slice %arg4[%add3A_400, %dma_wait3A_496, %dma_wait3A_497] : memref<1024x16x256xf32, #tpu.memory_space<hbm>> -> memref<8x16x256xf32, #tpu.memory_space<hbm>>
    %dma_wait3A_499 = arith.constant 0 : i32
    %dma_wait3A_500 = arith.constant 0 : i32
    %dma_wait3A_501 = tpu.memref_slice %arg4[%add3A_400, %dma_wait3A_499, %dma_wait3A_500] : memref<1024x16x256xf32, #tpu.memory_space<hbm>> -> memref<8x16x256xf32, #tpu.memory_space<hbm>>
    %dma_wait3A_502 = arith.constant 0 : i32
    %dma_wait3A_503 = arith.constant 0 : i32
    %dma_wait3A_504 = arith.constant 0 : i32
    %dma_wait3A_505 = tpu.memref_slice %arg5[%dma_wait3A_490, %dma_wait3A_502, %dma_wait3A_503, %dma_wait3A_504] : memref<3x8x16x256xf32, #tpu.memory_space<vmem>> -> memref<1x8x16x256xf32, #tpu.memory_space<vmem>>
    %dma_wait3A_506 = tpu.memref_squeeze %dma_wait3A_505 : memref<1x8x16x256xf32, #tpu.memory_space<vmem>> -> memref<8x16x256xf32, #tpu.memory_space<vmem>>
    tpu.wait_dma2 semaphore(%arg7 : memref<!tpu.dma_semaphore, #tpu.memory_space<semaphore_mem>>) src(%dma_wait3A_506 : memref<8x16x256xf32, #tpu.memory_space<vmem>>) dst(%dma_wait3A_501 : memref<8x16x256xf32, #tpu.memory_space<hbm>>)
    %dma_wait3A_507 = arith.constant 1 : i32
    %dma_wait3A_508 = arith.constant 0 : i32
    %dma_wait3A_509 = arith.constant 0 : i32
    %dma_wait3A_510 = arith.constant 0 : i32
    %dma_wait3A_511 = tpu.memref_slice %arg5[%dma_wait3A_507, %dma_wait3A_508, %dma_wait3A_509, %dma_wait3A_510] : memref<3x8x16x256xf32, #tpu.memory_space<vmem>> -> memref<1x8x16x256xf32, #tpu.memory_space<vmem>>
    %dma_wait3A_512 = tpu.memref_squeeze %dma_wait3A_511 : memref<1x8x16x256xf32, #tpu.memory_space<vmem>> -> memref<8x16x256xf32, #tpu.memory_space<vmem>>
    %dma_wait3A_513 = arith.constant 16 : i32
    %dma_wait3A_514 = arith.constant 0 : i32
    %dma_wait3A_515 = tpu.memref_slice %arg2[%add3A_436, %dma_wait3A_513, %dma_wait3A_514] : memref<1024x128x256xf32, #tpu.memory_space<hbm>> -> memref<8x16x256xf32, #tpu.memory_space<hbm>>
    %dma_wait3A_516 = arith.constant 0 : i32
    %dma_wait3A_517 = arith.constant 0 : i32
    %dma_wait3A_518 = arith.constant 0 : i32
    %dma_wait3A_519 = tpu.memref_slice %arg5[%dma_wait3A_507, %dma_wait3A_516, %dma_wait3A_517, %dma_wait3A_518] : memref<3x8x16x256xf32, #tpu.memory_space<vmem>> -> memref<1x8x16x256xf32, #tpu.memory_space<vmem>>
    %dma_wait3A_520 = tpu.memref_squeeze %dma_wait3A_519 : memref<1x8x16x256xf32, #tpu.memory_space<vmem>> -> memref<8x16x256xf32, #tpu.memory_space<vmem>>
    %dma_wait3A_521 = arith.constant 16 : i32
    %dma_wait3A_522 = arith.constant 0 : i32
    %dma_wait3A_523 = tpu.memref_slice %arg2[%add3A_436, %dma_wait3A_521, %dma_wait3A_522] : memref<1024x128x256xf32, #tpu.memory_space<hbm>> -> memref<8x16x256xf32, #tpu.memory_space<hbm>>
    tpu.wait_dma2 semaphore(%arg6 : memref<!tpu.dma_semaphore, #tpu.memory_space<semaphore_mem>>) src(%dma_wait3A_523 : memref<8x16x256xf32, #tpu.memory_space<hbm>>) dst(%dma_wait3A_520 : memref<8x16x256xf32, #tpu.memory_space<vmem>>)
    %add3A_524 = arith.constant 24 : i32
    %add3A_525 = arith.addi %mul3A_2, %add3A_524 : i32
    %dma_start3A_526 = arith.constant 1 : i32
    %dma_start3A_527 = arith.constant 0 : i32
    %dma_start3A_528 = arith.constant 0 : i32
    %dma_start3A_529 = arith.constant 0 : i32
    %dma_start3A_530 = tpu.memref_slice %arg5[%dma_start3A_526, %dma_start3A_527, %dma_start3A_528, %dma_start3A_529] : memref<3x8x16x256xf32, #tpu.memory_space<vmem>> -> memref<1x8x16x256xf32, #tpu.memory_space<vmem>>
    %dma_start3A_531 = tpu.memref_squeeze %dma_start3A_530 : memref<1x8x16x256xf32, #tpu.memory_space<vmem>> -> memref<8x16x256xf32, #tpu.memory_space<vmem>>
    %dma_start3A_532 = arith.constant 0 : i32
    %dma_start3A_533 = arith.constant 0 : i32
    %dma_start3A_534 = tpu.memref_slice %arg4[%add3A_525, %dma_start3A_532, %dma_start3A_533] : memref<1024x16x256xf32, #tpu.memory_space<hbm>> -> memref<8x16x256xf32, #tpu.memory_space<hbm>>
    %dma_start3A_535 = arith.constant 0 : i32
    %dma_start3A_536 = arith.constant 0 : i32
    %dma_start3A_537 = tpu.memref_slice %arg4[%add3A_525, %dma_start3A_535, %dma_start3A_536] : memref<1024x16x256xf32, #tpu.memory_space<hbm>> -> memref<8x16x256xf32, #tpu.memory_space<hbm>>
    %dma_start3A_538 = arith.constant 0 : i32
    %dma_start3A_539 = arith.constant 0 : i32
    %dma_start3A_540 = arith.constant 0 : i32
    %dma_start3A_541 = tpu.memref_slice %arg5[%dma_start3A_526, %dma_start3A_538, %dma_start3A_539, %dma_start3A_540] : memref<3x8x16x256xf32, #tpu.memory_space<vmem>> -> memref<1x8x16x256xf32, #tpu.memory_space<vmem>>
    %dma_start3A_542 = tpu.memref_squeeze %dma_start3A_541 : memref<1x8x16x256xf32, #tpu.memory_space<vmem>> -> memref<8x16x256xf32, #tpu.memory_space<vmem>>
    tpu.enqueue_dma source(%dma_start3A_542 : memref<8x16x256xf32, #tpu.memory_space<vmem>>) target(%dma_start3A_537 : memref<8x16x256xf32, #tpu.memory_space<hbm>>) target_semaphore(%arg7 : memref<!tpu.dma_semaphore, #tpu.memory_space<semaphore_mem>>)
    %dma_wait3A_543 = arith.constant 0 : i32
    %dma_wait3A_544 = arith.constant 0 : i32
    %dma_wait3A_545 = arith.constant 0 : i32
    %dma_wait3A_546 = arith.constant 0 : i32
    %dma_wait3A_547 = tpu.memref_slice %arg5[%dma_wait3A_543, %dma_wait3A_544, %dma_wait3A_545, %dma_wait3A_546] : memref<3x8x16x256xf32, #tpu.memory_space<vmem>> -> memref<1x8x16x256xf32, #tpu.memory_space<vmem>>
    %dma_wait3A_548 = tpu.memref_squeeze %dma_wait3A_547 : memref<1x8x16x256xf32, #tpu.memory_space<vmem>> -> memref<8x16x256xf32, #tpu.memory_space<vmem>>
    %dma_wait3A_549 = arith.constant 0 : i32
    %dma_wait3A_550 = arith.constant 0 : i32
    %dma_wait3A_551 = tpu.memref_slice %arg4[%add3A_472, %dma_wait3A_549, %dma_wait3A_550] : memref<1024x16x256xf32, #tpu.memory_space<hbm>> -> memref<8x16x256xf32, #tpu.memory_space<hbm>>
    %dma_wait3A_552 = arith.constant 0 : i32
    %dma_wait3A_553 = arith.constant 0 : i32
    %dma_wait3A_554 = tpu.memref_slice %arg4[%add3A_472, %dma_wait3A_552, %dma_wait3A_553] : memref<1024x16x256xf32, #tpu.memory_space<hbm>> -> memref<8x16x256xf32, #tpu.memory_space<hbm>>
    %dma_wait3A_555 = arith.constant 0 : i32
    %dma_wait3A_556 = arith.constant 0 : i32
    %dma_wait3A_557 = arith.constant 0 : i32
    %dma_wait3A_558 = tpu.memref_slice %arg5[%dma_wait3A_543, %dma_wait3A_555, %dma_wait3A_556, %dma_wait3A_557] : memref<3x8x16x256xf32, #tpu.memory_space<vmem>> -> memref<1x8x16x256xf32, #tpu.memory_space<vmem>>
    %dma_wait3A_559 = tpu.memref_squeeze %dma_wait3A_558 : memref<1x8x16x256xf32, #tpu.memory_space<vmem>> -> memref<8x16x256xf32, #tpu.memory_space<vmem>>
    tpu.wait_dma2 semaphore(%arg7 : memref<!tpu.dma_semaphore, #tpu.memory_space<semaphore_mem>>) src(%dma_wait3A_559 : memref<8x16x256xf32, #tpu.memory_space<vmem>>) dst(%dma_wait3A_554 : memref<8x16x256xf32, #tpu.memory_space<hbm>>)
    %dma_wait3A_560 = arith.constant 1 : i32
    %dma_wait3A_561 = arith.constant 0 : i32
    %dma_wait3A_562 = arith.constant 0 : i32
    %dma_wait3A_563 = arith.constant 0 : i32
    %dma_wait3A_564 = tpu.memref_slice %arg5[%dma_wait3A_560, %dma_wait3A_561, %dma_wait3A_562, %dma_wait3A_563] : memref<3x8x16x256xf32, #tpu.memory_space<vmem>> -> memref<1x8x16x256xf32, #tpu.memory_space<vmem>>
    %dma_wait3A_565 = tpu.memref_squeeze %dma_wait3A_564 : memref<1x8x16x256xf32, #tpu.memory_space<vmem>> -> memref<8x16x256xf32, #tpu.memory_space<vmem>>
    %dma_wait3A_566 = arith.constant 0 : i32
    %dma_wait3A_567 = arith.constant 0 : i32
    %dma_wait3A_568 = tpu.memref_slice %arg4[%add3A_525, %dma_wait3A_566, %dma_wait3A_567] : memref<1024x16x256xf32, #tpu.memory_space<hbm>> -> memref<8x16x256xf32, #tpu.memory_space<hbm>>
    %dma_wait3A_569 = arith.constant 0 : i32
    %dma_wait3A_570 = arith.constant 0 : i32
    %dma_wait3A_571 = tpu.memref_slice %arg4[%add3A_525, %dma_wait3A_569, %dma_wait3A_570] : memref<1024x16x256xf32, #tpu.memory_space<hbm>> -> memref<8x16x256xf32, #tpu.memory_space<hbm>>
    %dma_wait3A_572 = arith.constant 0 : i32
    %dma_wait3A_573 = arith.constant 0 : i32
    %dma_wait3A_574 = arith.constant 0 : i32
    %dma_wait3A_575 = tpu.memref_slice %arg5[%dma_wait3A_560, %dma_wait3A_572, %dma_wait3A_573, %dma_wait3A_574] : memref<3x8x16x256xf32, #tpu.memory_space<vmem>> -> memref<1x8x16x256xf32, #tpu.memory_space<vmem>>
    %dma_wait3A_576 = tpu.memref_squeeze %dma_wait3A_575 : memref<1x8x16x256xf32, #tpu.memory_space<vmem>> -> memref<8x16x256xf32, #tpu.memory_space<vmem>>
    tpu.wait_dma2 semaphore(%arg7 : memref<!tpu.dma_semaphore, #tpu.memory_space<semaphore_mem>>) src(%dma_wait3A_576 : memref<8x16x256xf32, #tpu.memory_space<vmem>>) dst(%dma_wait3A_571 : memref<8x16x256xf32, #tpu.memory_space<hbm>>)
    return
  }
}

module attributes {stable_mosaic.version = 14 : i64} {
  func.func @_tc_body(%arg0: i32, %arg1: memref<32x16x256xf32, #tpu.memory_space<vmem>>, %arg2: memref<32x16x256xf32, #tpu.memory_space<vmem>>, %arg3: memref<32x16x256xf32, #tpu.memory_space<vmem>>, %arg4: memref<32x16x256xf32, #tpu.memory_space<vmem>>, %arg5: memref<32x16x256xf32, #tpu.memory_space<vmem>>, %arg6: memref<32x16x256xf32, #tpu.memory_space<vmem>>, %arg7: memref<32x16x256xf32, #tpu.memory_space<vmem>>, %arg8: memref<32x16x256xf32, #tpu.memory_space<vmem>>, %arg9: memref<32x16x256xf32, #tpu.memory_space<vmem>>, %arg10: memref<32x16x256xf32, #tpu.memory_space<vmem>>, %arg11: memref<32x16x256xf32, #tpu.memory_space<vmem>>, %arg12: memref<32x16x256xf32, #tpu.memory_space<vmem>>) attributes {dimension_semantics = [#tpu.dimension_semantics<arbitrary>], iteration_bounds = array<i64: 32>, scalar_prefetch = 0 : i64, scratch_operands = 0 : i64, tpu.core_type = #tpu.core_type<tc>, window_params = [{transform_indices = @transform_0, window_bounds = array<i64: 32, 16, 256>}, {transform_indices = @transform_1, window_bounds = array<i64: 32, 16, 256>}, {transform_indices = @transform_2, window_bounds = array<i64: 32, 16, 256>}, {transform_indices = @transform_3, window_bounds = array<i64: 32, 16, 256>}, {transform_indices = @transform_4, window_bounds = array<i64: 32, 16, 256>}, {transform_indices = @transform_5, window_bounds = array<i64: 32, 16, 256>}, {transform_indices = @transform_6, window_bounds = array<i64: 32, 16, 256>}, {transform_indices = @transform_7, window_bounds = array<i64: 32, 16, 256>}, {transform_indices = @transform_8, window_bounds = array<i64: 32, 16, 256>}, {transform_indices = @transform_9, window_bounds = array<i64: 32, 16, 256>}, {transform_indices = @transform_10, window_bounds = array<i64: 32, 16, 256>}, {transform_indices = @transform_11, window_bounds = array<i64: 32, 16, 256>}]} {
    %get3A = arith.constant 0 : index
    %get3A_0 = arith.constant 0 : index
    %get3A_1 = arith.constant 0 : index
    %get3A_2 = vector.load %arg1[%get3A, %get3A_0, %get3A_1] : memref<32x16x256xf32, #tpu.memory_space<vmem>>, vector<32x16x256xf32>
    %swap3A = arith.constant 0 : index
    %swap3A_3 = arith.constant 0 : index
    %swap3A_4 = arith.constant 0 : index
    %swap3A_5 = vector.load %arg7[%swap3A, %swap3A_3, %swap3A_4] : memref<32x16x256xf32, #tpu.memory_space<vmem>>, vector<32x16x256xf32>
    tpu.vector_store %arg7[%swap3A, %swap3A_3, %swap3A_4], %get3A_2 {strides = array<i32>} : memref<32x16x256xf32, #tpu.memory_space<vmem>>, vector<32x16x256xf32>,
    %get3A_6 = arith.constant 0 : index
    %get3A_7 = arith.constant 0 : index
    %get3A_8 = arith.constant 0 : index
    %get3A_9 = vector.load %arg2[%get3A_6, %get3A_7, %get3A_8] : memref<32x16x256xf32, #tpu.memory_space<vmem>>, vector<32x16x256xf32>
    %swap3A_10 = arith.constant 0 : index
    %swap3A_11 = arith.constant 0 : index
    %swap3A_12 = arith.constant 0 : index
    %swap3A_13 = vector.load %arg8[%swap3A_10, %swap3A_11, %swap3A_12] : memref<32x16x256xf32, #tpu.memory_space<vmem>>, vector<32x16x256xf32>
    tpu.vector_store %arg8[%swap3A_10, %swap3A_11, %swap3A_12], %get3A_9 {strides = array<i32>} : memref<32x16x256xf32, #tpu.memory_space<vmem>>, vector<32x16x256xf32>,
    %get3A_14 = arith.constant 0 : index
    %get3A_15 = arith.constant 0 : index
    %get3A_16 = arith.constant 0 : index
    %get3A_17 = vector.load %arg3[%get3A_14, %get3A_15, %get3A_16] : memref<32x16x256xf32, #tpu.memory_space<vmem>>, vector<32x16x256xf32>
    %swap3A_18 = arith.constant 0 : index
    %swap3A_19 = arith.constant 0 : index
    %swap3A_20 = arith.constant 0 : index
    %swap3A_21 = vector.load %arg9[%swap3A_18, %swap3A_19, %swap3A_20] : memref<32x16x256xf32, #tpu.memory_space<vmem>>, vector<32x16x256xf32>
    tpu.vector_store %arg9[%swap3A_18, %swap3A_19, %swap3A_20], %get3A_17 {strides = array<i32>} : memref<32x16x256xf32, #tpu.memory_space<vmem>>, vector<32x16x256xf32>,
    %get3A_22 = arith.constant 0 : index
    %get3A_23 = arith.constant 0 : index
    %get3A_24 = arith.constant 0 : index
    %get3A_25 = vector.load %arg4[%get3A_22, %get3A_23, %get3A_24] : memref<32x16x256xf32, #tpu.memory_space<vmem>>, vector<32x16x256xf32>
    %swap3A_26 = arith.constant 0 : index
    %swap3A_27 = arith.constant 0 : index
    %swap3A_28 = arith.constant 0 : index
    %swap3A_29 = vector.load %arg10[%swap3A_26, %swap3A_27, %swap3A_28] : memref<32x16x256xf32, #tpu.memory_space<vmem>>, vector<32x16x256xf32>
    tpu.vector_store %arg10[%swap3A_26, %swap3A_27, %swap3A_28], %get3A_25 {strides = array<i32>} : memref<32x16x256xf32, #tpu.memory_space<vmem>>, vector<32x16x256xf32>,
    %get3A_30 = arith.constant 0 : index
    %get3A_31 = arith.constant 0 : index
    %get3A_32 = arith.constant 0 : index
    %get3A_33 = vector.load %arg5[%get3A_30, %get3A_31, %get3A_32] : memref<32x16x256xf32, #tpu.memory_space<vmem>>, vector<32x16x256xf32>
    %swap3A_34 = arith.constant 0 : index
    %swap3A_35 = arith.constant 0 : index
    %swap3A_36 = arith.constant 0 : index
    %swap3A_37 = vector.load %arg11[%swap3A_34, %swap3A_35, %swap3A_36] : memref<32x16x256xf32, #tpu.memory_space<vmem>>, vector<32x16x256xf32>
    tpu.vector_store %arg11[%swap3A_34, %swap3A_35, %swap3A_36], %get3A_33 {strides = array<i32>} : memref<32x16x256xf32, #tpu.memory_space<vmem>>, vector<32x16x256xf32>,
    %get3A_38 = arith.constant 0 : index
    %get3A_39 = arith.constant 0 : index
    %get3A_40 = arith.constant 0 : index
    %get3A_41 = vector.load %arg6[%get3A_38, %get3A_39, %get3A_40] : memref<32x16x256xf32, #tpu.memory_space<vmem>>, vector<32x16x256xf32>
    %swap3A_42 = arith.constant 0 : index
    %swap3A_43 = arith.constant 0 : index
    %swap3A_44 = arith.constant 0 : index
    %swap3A_45 = vector.load %arg12[%swap3A_42, %swap3A_43, %swap3A_44] : memref<32x16x256xf32, #tpu.memory_space<vmem>>, vector<32x16x256xf32>
    tpu.vector_store %arg12[%swap3A_42, %swap3A_43, %swap3A_44], %get3A_41 {strides = array<i32>} : memref<32x16x256xf32, #tpu.memory_space<vmem>>, vector<32x16x256xf32>,
    return
  }
  func.func @transform_0(%arg0: i32) -> (i32, i32, i32) {
    %c2_i32 = arith.constant 2 : i32
    %c0_i32 = arith.constant 0 : i32
    %c0_i32_0 = arith.constant 0 : i32
    return %arg0, %c2_i32, %c0_i32 : i32, i32, i32
  }
  func.func @transform_1(%arg0: i32) -> (i32, i32, i32) {
    %c3_i32 = arith.constant 3 : i32
    %c0_i32 = arith.constant 0 : i32
    %c0_i32_0 = arith.constant 0 : i32
    return %arg0, %c3_i32, %c0_i32 : i32, i32, i32
  }
  func.func @transform_2(%arg0: i32) -> (i32, i32, i32) {
    %c4_i32 = arith.constant 4 : i32
    %c0_i32 = arith.constant 0 : i32
    %c0_i32_0 = arith.constant 0 : i32
    return %arg0, %c4_i32, %c0_i32 : i32, i32, i32
  }
  func.func @transform_3(%arg0: i32) -> (i32, i32, i32) {
    %c5_i32 = arith.constant 5 : i32
    %c0_i32 = arith.constant 0 : i32
    %c0_i32_0 = arith.constant 0 : i32
    return %arg0, %c5_i32, %c0_i32 : i32, i32, i32
  }
  func.func @transform_4(%arg0: i32) -> (i32, i32, i32) {
    %c6_i32 = arith.constant 6 : i32
    %c0_i32 = arith.constant 0 : i32
    %c0_i32_0 = arith.constant 0 : i32
    return %arg0, %c6_i32, %c0_i32 : i32, i32, i32
  }
  func.func @transform_5(%arg0: i32) -> (i32, i32, i32) {
    %c7_i32 = arith.constant 7 : i32
    %c0_i32 = arith.constant 0 : i32
    %c0_i32_0 = arith.constant 0 : i32
    return %arg0, %c7_i32, %c0_i32 : i32, i32, i32
  }
  func.func @transform_6(%arg0: i32) -> (i32, i32, i32) {
    %c0_i32 = arith.constant 0 : i32
    %c0_i32_0 = arith.constant 0 : i32
    %c0_i32_1 = arith.constant 0 : i32
    return %arg0, %c0_i32, %c0_i32_0 : i32, i32, i32
  }
  func.func @transform_7(%arg0: i32) -> (i32, i32, i32) {
    %c0_i32 = arith.constant 0 : i32
    %c0_i32_0 = arith.constant 0 : i32
    %c0_i32_1 = arith.constant 0 : i32
    return %arg0, %c0_i32, %c0_i32_0 : i32, i32, i32
  }
  func.func @transform_8(%arg0: i32) -> (i32, i32, i32) {
    %c0_i32 = arith.constant 0 : i32
    %c0_i32_0 = arith.constant 0 : i32
    %c0_i32_1 = arith.constant 0 : i32
    return %arg0, %c0_i32, %c0_i32_0 : i32, i32, i32
  }
  func.func @transform_9(%arg0: i32) -> (i32, i32, i32) {
    %c0_i32 = arith.constant 0 : i32
    %c0_i32_0 = arith.constant 0 : i32
    %c0_i32_1 = arith.constant 0 : i32
    return %arg0, %c0_i32, %c0_i32_0 : i32, i32, i32
  }
  func.func @transform_10(%arg0: i32) -> (i32, i32, i32) {
    %c0_i32 = arith.constant 0 : i32
    %c0_i32_0 = arith.constant 0 : i32
    %c0_i32_1 = arith.constant 0 : i32
    return %arg0, %c0_i32, %c0_i32_0 : i32, i32, i32
  }
  func.func @transform_11(%arg0: i32) -> (i32, i32, i32) {
    %c0_i32 = arith.constant 0 : i32
    %c0_i32_0 = arith.constant 0 : i32
    %c0_i32_1 = arith.constant 0 : i32
    return %arg0, %c0_i32, %c0_i32_0 : i32, i32, i32
  }
}

</mosaic_0001>

<sc_bundles>
// kernel: kernel.4.cloned.1.call-start
scs
__scs_entry_jumppad:
0x0: {  	(pc) =	sbr.rel $0x88, $3  }
0x1: {  	(tag) =	ssettag $0x0;
	lr =	simm.s32 $0x1  }
0x2: {  	[smem:$0x3FA0] =	sst lr;
	_ =	strace $0xD0000000  }
0x3: {  	_ = 	snop  }
0x4: {  	_ = 	snop  }
0x5: {  	_ = 	snop  }
0x6: {  	_ = 	snop  }
0x7: {  	_ = 	snop  }
__scs_overlays_trampoline_lowered:
0x8: {  	[smem:$0x3FAF] =	sst s0  }
0x9: {  	[smem:$0x3FB0] =	sst s1  }
0xa: {  	[smem:$0x3FB1] =	sst s2  }
0xb: {  	[smem:$0x3FB2] =	sst s3  }
0xc: {  	[smem:$0x3FB3] =	sst s4  }
0xd: {  	[smem:$0x3FB4] =	sst s5  }
0xe: {  	[smem:$0x3FB5] =	sst s6  }
0xf: {  	[smem:$0x3FB6] =	sst s7  }
0x10: {  	[smem:$0x3FB7] =	sst s8  }
0x11: {  	[smem:$0x3FB8] =	sst s9;
	s0 =	simm.s32 @!p0 $0x0  }
0x12: {  	s1 =	sld [smem:$0x3F9E];
	s0 =	simm.s32 @p0 $0x1  }
0x13: {  	[smem:$0x3FB9] =	sst s0;
	s0 =	simm.s32 @!p1 $0x0  }
0x14: {  	s2 =	sld [smem:$0x3F9D];
	s0 =	simm.s32 @p1 $0x1  }
0x15: {  	[smem:$0x3FBA] =	sst s0;
	s0 =	simm.s32 @!p2 $0x0  }
0x16: {  	s3 =	sld [smem:$0x3FDB];
	s0 =	simm.s32 @p2 $0x1  }
0x17: {  	s4 =	simm.s32 $0x1BF5;
	[smem:$0x3FBC] =	sst s0  }
0x18: {  	s0 =	sld [smem:$0x3F9F];
	_ =	swait.ge [sflag:s4], $0x0  }
0x19: {  	s7 =	sld [smem:$0x3FA0]  }
0x1a: {  	s8 =	sadd.s32 $0xFFFFE003, lr  }
0x1b: {  	s9 =	sadd.s32 $0xFFFFFEF7, lr;
	s5 =	simm.s32 $0xFFFFFFFF;
	p2 =	slt.u32 s8, $0xFFFFF086  }
0x1c: {  	p1 =	slt.u32 s9, $0xF7A;
	s5 =	simm.s32 @!p2 $0x0  }
0x1d: {  	s5 =	simm.s32 @p1 $0x1;
	p0 =	seq.s32 s7, s2  }
0x1e: {  	s7 =	smul.u32 @!p0 $0xF7A, s2;
	p2 =	seq.s32 @!p0 s5, $0x0  }
0x1f: {  	s9 =	smul.u32 $0xF7A, s1;
	s8 =	simm.s32 @!p0 $0x1BF5;
	p2 =	por !p2, p0  }
0x20: {  	[sflag:s8] =	ssyncset.s32 @!p0 $0xFFFFF086;
	s6 =	sadd.s32 @!p0 s3, s7;
	s7 =	simm.s32 @!p0 $0x108  }
0x21: {  	s3 =	sadd.s32 s3, s9;
	s6 =	sadd.s32 @!p0 $0x88, s6;
	s7 =	simm.s32 @p2 $0x1082  }
0x22: {  	[simem:s7], [sflag:s8] =	dma.local @!p0 [hbm:s6], $0xF7A  }
0x23: {  	s9 =	sor.u32 $0xD0000000, s2;
	s6 =	simm.s32 $0x108;
	_ =	swait.ge @!p0 [sflag:s8], $0x0  }
0x24: {  	s3 =	sadd.s32 $0x88, s3;
	s6 =	simm.s32 @!p1 $0x1082;
	[sflag:s4] =	ssyncset.s32 $0xFFFFF086  }
0x25: {  	[simem:s6], [sflag:s4] =	dma.local [hbm:s3], $0xF7A  }
0x26: {  	[smem:$0x3FA0] =	sst s1;
	(tag) =	ssettag s2;
	_ =	strace s9  }
0x27: {  	s1 =	sld [smem:$0x3FB0]  }
0x28: {  	s2 =	sld [smem:$0x3FB1]  }
0x29: {  	s4 =	sld [smem:$0x3FB3]  }
0x2a: {  	p0 =	seq.s32 s5, $0x0;
	s5 =	sld [smem:$0x3FB4]  }
0x2b: {  	s6 =	sld [smem:$0x3FB5]  }
0x2c: {  	s7 =	sld [smem:$0x3FB6]  }
0x2d: {  	s3 =	simm.s32 $0x108;
	s8 =	sld [smem:$0x3FB7]  }
0x2e: {  	s3 =	simm.s32 @!p0 $0x1082;
	s9 =	sld [smem:$0x3FB8]  }
0x2f: {  	lr =	sadd.s32 s0, s3;
	s0 =	sld [smem:$0x3FAF]  }
0x30: {  	s3 =	sld [smem:$0x3FB2]  }
0x31: {  	[smem:$0x3FBB] =	sst s10  }
0x32: {  	s10 =	sld [smem:$0x3FB9];
	_ =	sdelay $0x3  }
0x33: {  	p0 =	seq.s32 s10, $0x1;
	s10 =	sld [smem:$0x3FBB];
	_ =	sdelay $0x3  }
0x34: {  	[smem:$0x3FBB] =	sst s10  }
0x35: {  	s10 =	sld [smem:$0x3FBA];
	_ =	sdelay $0x3  }
0x36: {  	p1 =	seq.s32 s10, $0x1;
	s10 =	sld [smem:$0x3FBB];
	_ =	sdelay $0x3  }
0x37: {  	[smem:$0x3FBB] =	sst s10  }
0x38: {  	s10 =	sld [smem:$0x3FBC]  }
0x39: {  	_ = 	snop;
	(pc) =	sbr.ind lr, $3  }
0x3a: {  	_ = 	snop  }
0x3b: {  	_ = 	snop  }
0x3c: {  	p2 =	seq.s32 s10, $0x1;
	s10 =	sld [smem:$0x3FBB]  }
0x3d: {  	_ =	shalt  }
0x3e: {  	_ =	shalt  }
0x3f: {  	_ =	shalt  }
0x40: {  	_ =	shalt  }
0x41: {  	_ =	shalt  }
0x42: {  	_ =	shalt  }
0x43: {  	_ =	shalt  }
0x44: {  	_ =	shalt  }
0x45: {  	_ =	shalt  }
0x46: {  	_ =	shalt  }
0x47: {  	_ =	shalt  }
0x48: {  	_ =	shalt  }
0x49: {  	_ =	shalt  }
0x4a: {  	_ =	shalt  }
0x4b: {  	_ =	shalt  }
0x4c: {  	_ =	shalt  }
0x4d: {  	_ =	shalt  }
0x4e: {  	_ =	shalt  }
0x4f: {  	_ =	shalt  }
0x50: {  	_ =	shalt  }
0x51: {  	_ =	shalt  }
0x52: {  	_ =	shalt  }
0x53: {  	_ =	shalt  }
0x54: {  	_ =	shalt  }
0x55: {  	_ =	shalt  }
0x56: {  	_ =	shalt  }
0x57: {  	_ =	shalt  }
0x58: {  	_ =	shalt  }
0x59: {  	_ =	shalt  }
0x5a: {  	_ =	shalt  }
0x5b: {  	_ =	shalt  }
0x5c: {  	_ =	shalt  }
0x5d: {  	_ =	shalt  }
0x5e: {  	_ =	shalt  }
0x5f: {  	_ =	shalt  }
0x60: {  	_ =	shalt  }
0x61: {  	_ =	shalt  }
0x62: {  	_ =	shalt  }
0x63: {  	_ =	shalt  }
0x64: {  	_ =	shalt  }
0x65: {  	_ =	shalt  }
0x66: {  	_ =	shalt  }
0x67: {  	_ =	shalt  }
0x68: {  	_ =	shalt  }
0x69: {  	_ =	shalt  }
0x6a: {  	_ =	shalt  }
0x6b: {  	_ =	shalt  }
0x6c: {  	_ =	shalt  }
0x6d: {  	_ =	shalt  }
0x6e: {  	_ =	shalt  }
0x6f: {  	_ =	shalt  }
0x70: {  	_ =	shalt  }
0x71: {  	_ =	shalt  }
0x72: {  	_ =	shalt  }
0x73: {  	_ =	shalt  }
0x74: {  	_ =	shalt  }
0x75: {  	_ =	shalt  }
0x76: {  	_ =	shalt  }
0x77: {  	_ =	shalt  }
0x78: {  	_ =	shalt  }
0x79: {  	_ =	shalt  }
0x7a: {  	_ =	shalt  }
0x7b: {  	_ =	shalt  }
0x7c: {  	_ =	shalt  }
0x7d: {  	_ =	shalt  }
0x7e: {  	_ =	shalt  }
0x7f: {  	_ =	shalt  }
0x80: {  	_ =	shalt  }
0x81: {  	_ =	shalt  }
0x82: {  	_ =	shalt  }
0x83: {  	_ =	shalt  }
0x84: {  	_ =	shalt  }
0x85: {  	_ =	shalt  }
0x86: {  	_ =	shalt  }
0x87: {  	_ =	shalt  }
.Lfunc_end0:
.L_simem_size_0:
called_computation_lowered:
.L_overlay_start_0:
0x88: {  	s2 =	sld [smem:$0x3FD9]  }
0x89: {  	s3 =	sld [smem:$0x3FFE];
	_ =	sdelay $0x1  }
0x8a: {  	s1 =	srdreg.scid  }
0x8b: {  	s0 =	sand.u32 $0x1, s1  }
0x8c: {  	s15 =	sshll.u32 s0, $0xA;
	s2 =	sadd.s32 s3, s2  }
0x8d: {  	s2 =	sadd.s32 s2, s15  }
0x8e: {  	[smem:$0x3FC7] =	sst s2  }
0x8f: {  	_ = 	snop  }
0x90: {  	s2 =	sld [smem:$0x3FD0];
	_ =	sdelay $0x2  }
0x91: {  	s4 =	simm.s32 $0xA;
	s5 =	simm.s32 $0x10;
	s16 =	sld [smem:$0x3FC9]  }
0x92: {  	[smem:s5], [sflag:s4] =	dma.local [hbm:s2], $0x1  }
0x93: {  	_ =	swait.eq [sflag:s4], $0x1  }
0x94: {  	[sflag:s4] =	ssyncset.done $0x0  }
0x95: {  	s17 =	sld [smem:$0x10];
	[sflag:s4] =	ssyncadd.s32 $0xFFFFFFFF  }
0x96: {  	s18 =	sld [smem:$0x11];
	(tm) =	ssettm $0x1  }
0x97: {  	s19 =	sld [smem:$0x3FFB];
	_ =	sdelay $0x3  }
0x98: {  	_ =	strace s19  }
0x99: {  	s5 =	sld [smem:$0x3FFC];
	_ =	sdelay $0x3  }
0x9a: {  	_ =	strace s5  }
0x9b: {  	s5 =	sld [smem:$0x3FFD];
	_ =	sdelay $0x3  }
0x9c: {  	_ =	strace s5  }
0x9d: {  	_ =	strace $0x8FFFFFFF  }
0x9e: {  	s20 =	sld [smem:$0x3FDB];
	_ =	sdelay $0x1  }
0x9f: {  	s6 =	simm.s32 $_scs_section_size  }
0xa0: {  	s7 =	simm.s32 $_size__tile_overlayer_lowered;
	s8 =	simm.s32 $_tile_overlayer_lowered  }
0xa1: {  	s23 =	simm.s32 $0x1BFF;
	s22 =	sshll.u32 s8, $0x1;
	s5 =	sadd.s32 s6, s20  }
0xa2: {  	s9 =	simm.s32 $0x0;
	s21 =	sshll.u32 s7, $0x1;
	s7 =	sadd.s32 s22, s5  }
0xa3: {  	[timem:s9], [sflag:s23] =	dma.local [hbm:s7], s21  }
0xa4: {  	_ =	swait.ge [sflag:s23], s21  }
0xa5: {  	s6 =	ssub.s32 $0x0, s21;
	[sflag:s23] =	ssyncset.done $0x0  }
0xa6: {  	[sflag:s23] =	ssyncadd.s32 s6;
	_ =	sdelay $0x1  }
0xa7: {  	s24 =	simm.s32 $0x1B8B  }
0xa8: {  	_ =	swait.ge [sflag:s24], $0x1  }
0xa9: {  	[sflag:s24] =	ssyncset.done $0x0  }
0xaa: {  	s25 =	simm.s32 $0x1B8E;
	[sflag:s24] =	ssyncadd.s32 $0xFFFFFFFF  }
0xab: {  	s26 =	simm.s32 $execute0_lowered;
	[smem:$0x3FD2] =	sst s25  }
0xac: {  	s6 =	sshll.u32 s26, $0x1;
	_ =	strace $0x80000046;
	[dreg:$0x1] =	wrdreg $0xFFFFFFFF  }
0xad: {  	s28 =	simm.s32 $_size_execute0_lowered;
	s5 =	sadd.s32 s5, s6;
	[dreg:$0x0] =	wrdreg $0x0  }
0xae: {  	s6 =	sshll.u32 s28, $0x1;
	[dreg:$0x2] =	wrdreg s5  }
0xaf: {  	[dreg:$0x3] =	wrdreg s6  }
0xb0: {  	[dreg:$0x4] =	wrdreg $0xC0  }
0xb1: {  	_ =	task [dreg:s9], $0x5FFFF  }
0xb2: {  	[dreg:$0x1] =	wrdreg $0xFFFFFFFF  }
0xb3: {  	[dreg:$0x0] =	wrdreg $0x60  }
0xb4: {  	[dreg:$0x2] =	wrdreg s16  }
0xb5: {  	[dreg:$0x3] =	wrdreg s17  }
0xb6: {  	[dreg:$0x4] =	wrdreg s18  }
0xb7: {  	[dreg:$0x5] =	wrdreg $0x9  }
0xb8: {  	_ =	task.clear_ibuf [dreg:s9], $0x6FFFF;
	_ =	strace $0x90000046  }
0xb9: {  	s29 =	simm.s32 $0x9;
	_ =	strace $0x80000048  }
0xba: {  	_ =	swait.ge [sflag:s29], $0x1  }
0xbb: {  	[sflag:s29] =	ssyncadd.s32 $0xFFFFFFFF  }
0xbc: {  	_ =	strace $0x90000048  }
0xbd: {  	_ =	sfence  }
0xbe: {  	s30 =	sld [smem:$0x0];
	_ =	sdelay $0x2  }
0xbf: {  	s31 =	sshll.u32 s1, $0xD;
	s1 =	sshrl.u32 s1, $0x2  }
0xc0: {  	s3 =	sand.u32 $0x4000, s31;
	s1 =	sadd.s32 s1, s30  }
0xc1: {  	s0 =	sor.u32 s3, s0;
	s1 =	sshll.u32 s1, $0x11  }
0xc2: {  	s0 =	sor.u32 s1, s0  }
0xc3: {  	s0 =	sadd.s32 $0x8F2B, s0  }
0xc4: {  	[sflag:s0] =	ssyncadd.remote.s32 $0x1  }
0xc5: {  	_ =	sfence.sel $0xFFFF  }
0xc6: {  	[dreg:$0x0] =	wrdreg $0xFFFFFFFF;
	(pc) =	sbr.abs _section_cstart, $3  }
0xc7: {  	[dreg:$0x1] =	wrdreg $0xFFFFFFFF  }
0xc8: {  	_ =	task.clear_ibuf [dreg:s9], $0x2FFFF;
	_ =	strace $0x9FFFFFFF  }
0xc9: {  	(tm) =	ssettm $0x7FFFFFFF  }
tec
execute0_lowered:
.L_overlay_start_1:
0x0: {  	(tag) =	ssettag $0x1  }
0x1: {  	s15 =	rddreg [dreg:$0x0];
	s1 =	srdreg.scid  }
0x2: {  	s16 =	rddreg [dreg:$0x1];
	s0 =	stileid.u32  }
0x3: {  	s23 =	rddreg [dreg:$0x2];
	s2 =	simm.s32 $0x0;
	s24 =	sand.u32 $0x1, s1  }
0x4: {  	s3 =	sshll.u32 s0, $0x6;
	s1 =	rddreg [dreg:$0x3];
	s4 =	sshll.u32 s24, $0x5  }
0x5: {  	s5 =	simm.s32 $0x8000;
	[smem:$0x7FF] =	sst s2;
	s13 =	sor.u32 s4, s3  }
0x6: {  	_ =	strace $0x80000047;
	s17 =	sshll.u32 s13, $0xC;
	s11 =	sor.u32 $0x8, s13  }
0x7: {  	s4 =	simm.s32 $0x1000;
	s3 =	sadd.s32 s15, s17;
	s18 =	sshll.u32 s11, $0xC  }
0x8: {  	[tilespmem:s2], [sflag:$0x1] =	stream.strided.gather [hbm4b:s3+s4], $0x8000, s5, s4, $0x38;
	[tilespmem:$0x18000] =	vst v63  }
0x9: {  	s7 =	simm.s32 $0x1;
	s6 =	sadd.s32 s15, s18  }
0xa: {  	[tilespmem:s5], [sflag:$0x1] =	stream.strided.gather [hbm4b:s6+s4], $0x8000, s5, s4, $0x38;
	[tilespmem:$0x18000] =	vst v63  }
0xb: {  	_ =	swait.ge [sflag:s7], $0x8000  }
0xc: {  	s19 =	sshll.u32 s13, $0x9;
	s14 =	sor.u32 $0x10, s13;
	[sflag:s7] =	ssyncset.done $0x0  }
0xd: {  	s8 =	sadd.s32 s16, s19;
	s20 =	sshll.u32 s14, $0xC;
	[sflag:s7] =	ssyncadd.s32 $0xFFFF8000  }
0xe: {  	[hbm4b:s8+s2] =	stream.linear.scatter [tilespmem:s2], [sflag:$0x2], $0x8000, $0x38;
	[tilespmem:$0x18000] =	vst v63  }
0xf: {  	s10 =	simm.s32 $0x10000;
	s9 =	sadd.s32 s15, s20  }
0x10: {  	[tilespmem:s10], [sflag:$0x1] =	stream.strided.gather [hbm4b:s9+s4], $0x8000, s5, s4, $0x38;
	[tilespmem:$0x18000] =	vst v63  }
0x11: {  	_ =	swait.ge [sflag:s7], $0x8000  }
0x12: {  	s21 =	sshll.u32 s11, $0x9;
	[sflag:s7] =	ssyncset.done $0x0  }
0x13: {  	s11 =	simm.s32 $0x2;
	s12 =	sadd.s32 s16, s21;
	[sflag:s7] =	ssyncadd.s32 $0xFFFF8000  }
0x14: {  	[hbm4b:s12+s2] =	stream.linear.scatter [tilespmem:s5], [sflag:$0x2], $0x8000, $0x38;
	[tilespmem:$0x18000] =	vst v63  }
0x15: {  	s22 =	sor.u32 $0x18, s13;
	_ =	swait.ge [sflag:s11], $0x8000  }
0x16: {  	s25 =	sshll.u32 s22, $0xC;
	[sflag:s11] =	ssyncset.done $0x0  }
0x17: {  	s13 =	sadd.s32 s15, s25;
	[sflag:s11] =	ssyncadd.s32 $0xFFFF8000  }
0x18: {  	[tilespmem:s2], [sflag:$0x1] =	stream.strided.gather [hbm4b:s13+s4], $0x8000, s5, s4, $0x38;
	[tilespmem:$0x18000] =	vst v63  }
0x19: {  	_ =	swait.ge [sflag:s7], $0x8000  }
0x1a: {  	s26 =	sshll.u32 s14, $0x9;
	[sflag:s7] =	ssyncset.done $0x0  }
0x1b: {  	s14 =	sadd.s32 s16, s26;
	[sflag:s7] =	ssyncadd.s32 $0xFFFF8000  }
0x1c: {  	[hbm4b:s14+s2] =	stream.linear.scatter [tilespmem:s10], [sflag:$0x2], $0x8000, $0x38;
	[tilespmem:$0x18000] =	vst v63  }
0x1d: {  	_ =	swait.ge [sflag:s11], $0x8000  }
0x1e: {  	s28 =	sadd.s32 $0x200, s15;
	[sflag:s11] =	ssyncset.done $0x0  }
0x1f: {  	s15 =	sadd.s32 s17, s28;
	[sflag:s11] =	ssyncadd.s32 $0xFFFF8000  }
0x20: {  	[tilespmem:s5], [sflag:$0x1] =	stream.strided.gather [hbm4b:s15+s4], $0x8000, s5, s4, $0x38;
	[tilespmem:$0x18000] =	vst v63  }
0x21: {  	_ =	swait.ge [sflag:s7], $0x8000  }
0x22: {  	s29 =	sshll.u32 s22, $0x9;
	[sflag:s7] =	ssyncset.done $0x0  }
0x23: {  	s16 =	sadd.s32 s16, s29;
	[sflag:s7] =	ssyncadd.s32 $0xFFFF8000  }
0x24: {  	[hbm4b:s16+s2] =	stream.linear.scatter [tilespmem:s2], [sflag:$0x2], $0x8000, $0x38;
	[tilespmem:$0x18000] =	vst v63  }
0x25: {  	_ =	swait.ge [sflag:s11], $0x8000  }
0x26: {  	[sflag:s11] =	ssyncset.done $0x0  }
0x27: {  	s17 =	sadd.s32 s18, s28;
	[sflag:s11] =	ssyncadd.s32 $0xFFFF8000  }
0x28: {  	[tilespmem:s10], [sflag:$0x1] =	stream.strided.gather [hbm4b:s17+s4], $0x8000, s5, s4, $0x38;
	[tilespmem:$0x18000] =	vst v63  }
0x29: {  	_ =	swait.ge [sflag:s7], $0x8000  }
0x2a: {  	[sflag:s7] =	ssyncset.done $0x0  }
0x2b: {  	s18 =	sadd.s32 s23, s19;
	[sflag:s7] =	ssyncadd.s32 $0xFFFF8000  }
0x2c: {  	[hbm4b:s18+s2] =	stream.linear.scatter [tilespmem:s5], [sflag:$0x2], $0x8000, $0x38;
	[tilespmem:$0x18000] =	vst v63  }
0x2d: {  	_ =	swait.ge [sflag:s11], $0x8000  }
0x2e: {  	[sflag:s11] =	ssyncset.done $0x0  }
0x2f: {  	s19 =	sadd.s32 s20, s28;
	[sflag:s11] =	ssyncadd.s32 $0xFFFF8000  }
0x30: {  	[tilespmem:s2], [sflag:$0x1] =	stream.strided.gather [hbm4b:s19+s4], $0x8000, s5, s4, $0x38;
	[tilespmem:$0x18000] =	vst v63  }
0x31: {  	_ =	swait.ge [sflag:s7], $0x8000  }
0x32: {  	[sflag:s7] =	ssyncset.done $0x0  }
0x33: {  	s20 =	sadd.s32 s23, s21;
	[sflag:s7] =	ssyncadd.s32 $0xFFFF8000  }
0x34: {  	[hbm4b:s20+s2] =	stream.linear.scatter [tilespmem:s10], [sflag:$0x2], $0x8000, $0x38;
	[tilespmem:$0x18000] =	vst v63  }
0x35: {  	_ =	swait.ge [sflag:s11], $0x8000  }
0x36: {  	[sflag:s11] =	ssyncset.done $0x0  }
0x37: {  	s21 =	sadd.s32 s25, s28;
	[sflag:s11] =	ssyncadd.s32 $0xFFFF8000  }
0x38: {  	[tilespmem:s5], [sflag:$0x1] =	stream.strided.gather [hbm4b:s21+s4], $0x8000, s5, s4, $0x38;
	[tilespmem:$0x18000] =	vst v63  }
0x39: {  	_ =	swait.ge [sflag:s7], $0x8000  }
0x3a: {  	[sflag:s7] =	ssyncset.done $0x0  }
0x3b: {  	s22 =	sadd.s32 s23, s26;
	[sflag:s7] =	ssyncadd.s32 $0xFFFF8000  }
0x3c: {  	[hbm4b:s22+s2] =	stream.linear.scatter [tilespmem:s2], [sflag:$0x2], $0x8000, $0x38;
	[tilespmem:$0x18000] =	vst v63  }
0x3d: {  	_ =	swait.ge [sflag:s11], $0x8000  }
0x3e: {  	s24 =	ssub.s32 $0x2, s24;
	[sflag:s11] =	ssyncset.done $0x0  }
0x3f: {  	s31 =	sshrl.u32 s24, $0x1;
	[sflag:s11] =	ssyncadd.s32 $0xFFFF8000  }
0x40: {  	s24 =	ssub.s32 s24, s31;
	_ =	swait.ge [sflag:s7], $0x8000  }
0x41: {  	s24 =	smax.u32 s24, $0x1;
	[sflag:s7] =	ssyncset.done $0x0  }
0x42: {  	s23 =	sadd.s32 s23, s29;
	p0 =	sne.s32 s24, $0x1;
	[sflag:s7] =	ssyncadd.s32 $0xFFFF8000  }
0x43: {  	[hbm4b:s23+s2] =	stream.linear.scatter [tilespmem:s5], [sflag:$0x2], $0x8000, $0x38;
	[tilespmem:$0x18000] =	vst v63  }
.Ltmp0:
0x44: {  	_ =	swait.ge [sflag:s11], $0x8000;
	(pc) =	sbr.rel @!p0 .LBB2_2-.Ltmp0, $4  }
0x45: {  	[sflag:s11] =	ssyncset.done $0x0  }
0x46: {  	[sflag:s11] =	ssyncadd.s32 $0xFFFF8000  }
0x47: {  	_ =	swait.ge [sflag:s11], $0x8000  }
0x48: {  	s24 =	sadd.s32 $0xFFFFFFFF, s24;
	[sflag:s11] =	ssyncset.done $0x0  }
.LBB2_1:
0x49: {  	p0 =	sne.s32 s24, $0x1;
	s24 =	sadd.s32 $0xFFFFFFFF, s24;
	[sflag:s11] =	ssyncadd.s32 $0xFFFF8000  }
0x4a: {  	[tilespmem:s2], [sflag:$0x1] =	stream.strided.gather [hbm4b:s3+s4], $0x8000, s5, s4, $0x38;
	[tilespmem:$0x18000] =	vst v63  }
0x4b: {  	_ = 	snop  }
0x4c: {  	[tilespmem:s5], [sflag:$0x1] =	stream.strided.gather [hbm4b:s6+s4], $0x8000, s5, s4, $0x38;
	[tilespmem:$0x18000] =	vst v63  }
0x4d: {  	_ =	swait.ge [sflag:s7], $0x8000  }
0x4e: {  	[sflag:s7] =	ssyncset.done $0x0  }
0x4f: {  	[sflag:s7] =	ssyncadd.s32 $0xFFFF8000  }
0x50: {  	[hbm4b:s8+s2] =	stream.linear.scatter [tilespmem:s2], [sflag:$0x2], $0x8000, $0x38;
	[tilespmem:$0x18000] =	vst v63  }
0x51: {  	_ = 	snop  }
0x52: {  	[tilespmem:s10], [sflag:$0x1] =	stream.strided.gather [hbm4b:s9+s4], $0x8000, s5, s4, $0x38;
	[tilespmem:$0x18000] =	vst v63  }
0x53: {  	_ =	swait.ge [sflag:s7], $0x8000  }
0x54: {  	[sflag:s7] =	ssyncset.done $0x0  }
0x55: {  	[sflag:s7] =	ssyncadd.s32 $0xFFFF8000  }
0x56: {  	[hbm4b:s12+s2] =	stream.linear.scatter [tilespmem:s5], [sflag:$0x2], $0x8000, $0x38;
	[tilespmem:$0x18000] =	vst v63  }
0x57: {  	_ =	swait.ge [sflag:s11], $0x8000  }
0x58: {  	[sflag:s11] =	ssyncset.done $0x0  }
0x59: {  	[sflag:s11] =	ssyncadd.s32 $0xFFFF8000  }
0x5a: {  	[tilespmem:s2], [sflag:$0x1] =	stream.strided.gather [hbm4b:s13+s4], $0x8000, s5, s4, $0x38;
	[tilespmem:$0x18000] =	vst v63  }
0x5b: {  	_ =	swait.ge [sflag:s7], $0x8000  }
0x5c: {  	[sflag:s7] =	ssyncset.done $0x0  }
0x5d: {  	[sflag:s7] =	ssyncadd.s32 $0xFFFF8000  }
0x5e: {  	[hbm4b:s14+s2] =	stream.linear.scatter [tilespmem:s10], [sflag:$0x2], $0x8000, $0x38;
	[tilespmem:$0x18000] =	vst v63  }
0x5f: {  	_ =	swait.ge [sflag:s11], $0x8000  }
0x60: {  	[sflag:s11] =	ssyncset.done $0x0  }
0x61: {  	[sflag:s11] =	ssyncadd.s32 $0xFFFF8000  }
0x62: {  	[tilespmem:s5], [sflag:$0x1] =	stream.strided.gather [hbm4b:s15+s4], $0x8000, s5, s4, $0x38;
	[tilespmem:$0x18000] =	vst v63  }
0x63: {  	_ =	swait.ge [sflag:s7], $0x8000  }
0x64: {  	[sflag:s7] =	ssyncset.done $0x0  }
0x65: {  	[sflag:s7] =	ssyncadd.s32 $0xFFFF8000  }
0x66: {  	[hbm4b:s16+s2] =	stream.linear.scatter [tilespmem:s2], [sflag:$0x2], $0x8000, $0x38;
	[tilespmem:$0x18000] =	vst v63  }
0x67: {  	_ =	swait.ge [sflag:s11], $0x8000  }
0x68: {  	[sflag:s11] =	ssyncset.done $0x0  }
0x69: {  	[sflag:s11] =	ssyncadd.s32 $0xFFFF8000  }
0x6a: {  	[tilespmem:s10], [sflag:$0x1] =	stream.strided.gather [hbm4b:s17+s4], $0x8000, s5, s4, $0x38;
	[tilespmem:$0x18000] =	vst v63  }
0x6b: {  	_ =	swait.ge [sflag:s7], $0x8000  }
0x6c: {  	[sflag:s7] =	ssyncset.done $0x0  }
0x6d: {  	[sflag:s7] =	ssyncadd.s32 $0xFFFF8000  }
0x6e: {  	[hbm4b:s18+s2] =	stream.linear.scatter [tilespmem:s5], [sflag:$0x2], $0x8000, $0x38;
	[tilespmem:$0x18000] =	vst v63  }
0x6f: {  	_ =	swait.ge [sflag:s11], $0x8000  }
0x70: {  	[sflag:s11] =	ssyncset.done $0x0  }
0x71: {  	[sflag:s11] =	ssyncadd.s32 $0xFFFF8000  }
0x72: {  	[tilespmem:s2], [sflag:$0x1] =	stream.strided.gather [hbm4b:s19+s4], $0x8000, s5, s4, $0x38;
	[tilespmem:$0x18000] =	vst v63  }
0x73: {  	_ =	swait.ge [sflag:s7], $0x8000  }
0x74: {  	[sflag:s7] =	ssyncset.done $0x0  }
0x75: {  	[sflag:s7] =	ssyncadd.s32 $0xFFFF8000  }
0x76: {  	[hbm4b:s20+s2] =	stream.linear.scatter [tilespmem:s10], [sflag:$0x2], $0x8000, $0x38;
	[tilespmem:$0x18000] =	vst v63  }
0x77: {  	_ =	swait.ge [sflag:s11], $0x8000  }
0x78: {  	[sflag:s11] =	ssyncset.done $0x0  }
0x79: {  	[sflag:s11] =	ssyncadd.s32 $0xFFFF8000  }
0x7a: {  	[tilespmem:s5], [sflag:$0x1] =	stream.strided.gather [hbm4b:s21+s4], $0x8000, s5, s4, $0x38;
	[tilespmem:$0x18000] =	vst v63  }
0x7b: {  	_ =	swait.ge [sflag:s7], $0x8000  }
0x7c: {  	[sflag:s7] =	ssyncset.done $0x0  }
0x7d: {  	[sflag:s7] =	ssyncadd.s32 $0xFFFF8000  }
0x7e: {  	[hbm4b:s22+s2] =	stream.linear.scatter [tilespmem:s2], [sflag:$0x2], $0x8000, $0x38;
	[tilespmem:$0x18000] =	vst v63  }
0x7f: {  	_ =	swait.ge [sflag:s11], $0x8000  }
0x80: {  	[sflag:s11] =	ssyncset.done $0x0  }
0x81: {  	[sflag:s11] =	ssyncadd.s32 $0xFFFF8000  }
0x82: {  	_ =	swait.ge [sflag:s7], $0x8000  }
0x83: {  	[sflag:s7] =	ssyncset.done $0x0  }
0x84: {  	[sflag:s7] =	ssyncadd.s32 $0xFFFF8000  }
0x85: {  	[hbm4b:s23+s2] =	stream.linear.scatter [tilespmem:s5], [sflag:$0x2], $0x8000, $0x38;
	[tilespmem:$0x18000] =	vst v63  }
.Ltmp1:
0x86: {  	_ =	swait.ge [sflag:s11], $0x8000;
	(pc) =	sbr.rel @p0 .LBB2_1-.Ltmp1, $4  }
0x87: {  	[sflag:s11] =	ssyncset.done $0x0  }
0x88: {  	[sflag:s11] =	ssyncadd.s32 $0xFFFF8000  }
0x89: {  	_ =	swait.ge [sflag:s11], $0x8000  }
0x8a: {  	[sflag:s11] =	ssyncset.done $0x0  }
.LBB2_2:
0x8b: {  	[sflag:s11] =	ssyncadd.s32 $0xFFFF8000  }
0x8c: {  	_ =	sfence.sel $0x180000  }
0x8d: {  	[bflag:$0x0] =	sbarrier.arrive $0xFFFF  }
0x8e: {  	p0 =	sne.s32 s0, $0x0;
	_ =	strace $0x90000047  }
0x8f: {  	s0 =	sadd.s32 @!p0 $0x100000, s1;
	[bflag:$0x2] =	sbarrier.arrive $0xFFFF  }
0x90: {  	[sflag:s0] =	ssyncadd.tile.s32 @!p0 $0x1;
	_ =	shalt  }
.Lfunc_end2:
_tile_overlayer_lowered:
.L_overlay_start_2:
0x91: {  	(tag) =	ssettag $0x2  }
0x92: {  	s0 =	rddreg [dreg:$0x0];
	s2 =	stileid.u32  }
0x93: {  	s1 =	rddreg [dreg:$0x1];
	p0 =	sne.s32 s2, $0x0  }
0x94: {  	s3 =	rddreg [dreg:$0x2];
	[bflag:$0x3] =	sbarrier.arrive $0xFFFF;
	s2 =	simm.s32 @!p0 $0x1C03  }
0x95: {  	[timem:s3], [sflag:s2] =	dma.local @!p0 [hbm:s0], s1  }
0x96: {  	s0 =	simm.s32 @!p0 $0x3  }
0x97: {  	_ =	swait.ge @!p0 [sflag:s0], s1  }
0x98: {  	s1 =	ssub.s32 @!p0 $0x0, s1;
	[sflag:s0] =	ssyncset.done @!p0 $0x0  }
0x99: {  	[sflag:s0] =	ssyncadd.s32 @!p0 s1  }
0x9a: {  	[bflag:$0x3] =	sbarrier.arrive $0xFFFF  }
0x9b: {  	_ =	shalt  }

</sc_bundles>
